<compile_context>
chip_gen: v7x
topology: tpu7x:2x2x1
jax: 0.10.2.dev20260603
libtpu: 0.0.44.dev20260713+nightly
codegen_flags: <defaults>
</compile_context>

<pallas_src>
import functools

import jax
import jax.numpy as jnp
from jax import lax
from jax.experimental import pallas as pl
from jax.experimental.pallas import tpu as pltpu
from jax.experimental.pallas import tpu_sc as plsc

VOCAB = 1000000
D_MODEL = 64
PADDING_IDX = 0
BATCH = 4096
SEQ_LEN = 200

NUM_CORES = 2
NUM_SUBCORES = 16
NW = NUM_CORES * NUM_SUBCORES

TOTAL = BATCH * SEQ_LEN
IDX_W = 128
ROWS_TOTAL = TOTAL // IDX_W
ROWS_PER_W = ROWS_TOTAL // NW
G = 5
CHUNK = G * IDX_W
N_CHUNKS = ROWS_PER_W // G


def _sc_gather(tok2d, table):
    mesh = plsc.VectorSubcoreMesh(
        core_axis_name="c", subcore_axis_name="s",
        num_cores=NUM_CORES, num_subcores=NUM_SUBCORES)

    @functools.partial(
        pl.kernel,
        out_type=jax.ShapeDtypeStruct((TOTAL, 2 * D_MODEL), jnp.float32),
        mesh=mesh,
        scratch_types=[
            pltpu.VMEM((ROWS_PER_W, IDX_W), jnp.int32),
            pltpu.VMEM((CHUNK, D_MODEL), jnp.float32),
            pltpu.VMEM((CHUNK, D_MODEL), jnp.float32),
            pltpu.SemaphoreType.DMA,
            pltpu.SemaphoreType.DMA,
            pltpu.SemaphoreType.DMA,
            pltpu.SemaphoreType.DMA,
        ],
        compiler_params=pltpu.CompilerParams(
            use_tc_tiling_on_sc=False, needs_layout_passes=True),
    )
    def k(tok_hbm, table_hbm, out_hbm, idx_v, rows0, rows1, g0, g1, o0, o1):
        wid = lax.axis_index("s") * NUM_CORES + lax.axis_index("c")
        tok_base = wid * ROWS_PER_W * IDX_W
        rows = (rows0, rows1)
        gsem = (g0, g1)
        osem = (o0, o1)

        pltpu.sync_copy(tok_hbm.at[pl.ds(wid * ROWS_PER_W, ROWS_PER_W)], idx_v)

        def issue_gathers(c, b):
            for j in range(G):
                pltpu.async_copy(
                    table_hbm.at[idx_v.at[c * G + j]],
                    rows[b].at[pl.ds(j * IDX_W, IDX_W)],
                    gsem[b])

        def wait_gathers(b):
            pltpu.make_async_copy(
                table_hbm.at[pl.ds(0, CHUNK)], rows[b], gsem[b]).wait()

        def issue_writeback(c, b):
            pltpu.async_copy(
                rows[b],
                out_hbm.at[pl.ds(tok_base + c * CHUNK, CHUNK),
                           pl.ds(0, D_MODEL)],
                osem[b])

        def wait_writeback(b):
            pltpu.make_async_copy(
                rows[b], out_hbm.at[pl.ds(0, CHUNK), pl.ds(0, D_MODEL)],
                osem[b]).wait()

        issue_gathers(0, 0)

        @pl.loop(0, N_CHUNKS, step=2)
        def _group(c0):
            c1 = c0 + 1
            @pl.when(c0 > 0)
            def _():
                wait_writeback(1)
            issue_gathers(c1, 1)
            wait_gathers(0)
            issue_writeback(c0, 0)

            @pl.when(c0 + 2 < N_CHUNKS)
            def _():
                wait_writeback(0)
                issue_gathers(c0 + 2, 0)
            wait_gathers(1)
            issue_writeback(c1, 1)

        wait_writeback(0)
        wait_writeback(1)

    return k(tok2d, table)


def _masks_kernel(tok_ref, pad_ref, seq_ref):
    pad_ref[...] = tok_ref[...] == PADDING_IDX
    r = lax.broadcasted_iota(jnp.int32, (SEQ_LEN, SEQ_LEN), 0)
    c = lax.broadcasted_iota(jnp.int32, (SEQ_LEN, SEQ_LEN), 1)
    seq_ref[...] = c > r


def _masks(tokens):
    return pl.pallas_call(
        _masks_kernel,
        out_shape=(
            jax.ShapeDtypeStruct((BATCH, SEQ_LEN), jnp.bool_),
            jax.ShapeDtypeStruct((SEQ_LEN, SEQ_LEN), jnp.bool_),
        ),
    )(tokens)


def kernel(tokens, table):
    tokens = tokens.astype(jnp.int32)
    tok2d = tokens.reshape(ROWS_TOTAL, IDX_W)
    padded = _sc_gather(tok2d, table)
    feats = padded[:, :D_MODEL].reshape(BATCH, SEQ_LEN, D_MODEL)
    pad, seq = _masks(tokens)
    return (feats, (pad[:, None, None, :], seq))

# --- scband reference (transcript-rebuilt; emitter-appended) ---
"""Pipeline reference for scband-vanilla-embedding-90529320665449 (READ-ONLY COPY).

The authoritative reference and input builder live on the scoring server;
editing this copy changes nothing except your own understanding.
"""

import jax, jax.numpy as jnp
import numpy as np

VOCAB = 1000000
D_MODEL = 64
PADDING_IDX = 0
BATCH = 4096
SEQ_LEN = 200


def setup_inputs(seed: int = 0) -> dict:
    key = jax.random.key(seed)
    k_tok, k_tbl = jax.random.split(key)
    tokens = jax.random.randint(k_tok, (BATCH, SEQ_LEN), 0, VOCAB)
    table = jax.random.normal(k_tbl, (VOCAB, D_MODEL), dtype=jnp.float32) * 0.02
    # nn.Embedding zero-initializes the padding row
    table = table.at[PADDING_IDX].set(0.0)
    return {"tokens": tokens, "table": table}


def generate_padding_mask(tokens, padding_idx):
    # True where token is padding; shape [B, 1, 1, L] as is typical for attention masks
    return (tokens == padding_idx)[:, None, None, :]


def generate_sequential_mask(seq_len):
    # causal mask: True above the diagonal (future positions masked)
    return jnp.triu(jnp.ones((seq_len, seq_len), dtype=bool), k=1)


def reference(tokens, table):
    padding_masks = generate_padding_mask(tokens, PADDING_IDX)
    seq_len = tokens.shape[-1]
    sequential_masks = generate_sequential_mask(seq_len)
    # embedding lookup == row gather from the table
    features = jnp.take(table, tokens, axis=0)
    return (features, (padding_masks, sequential_masks))

if __name__ == "__main__":
    import jax
    _d = setup_inputs()
    print(jax.jit(kernel)(*tuple(_d.values())))

</pallas_src>

<mosaic_0001>
#map = affine_map<(d0, d1) -> (0, 0)>
module attributes {stable_mosaic.version = 14 : i64} {
  func.func @k(%arg0: i32, %arg1: i32, %arg2: memref<6400x128xi32, #tpu.memory_space<hbm>>, %arg3: memref<1000000x64xf32, #tpu.memory_space<hbm>>, %arg4: memref<819200x128xf32, #tpu.memory_space<hbm>>, %arg5: memref<200x128xi32, #tpu.memory_space<vmem>>, %arg6: memref<640x64xf32, #tpu.memory_space<vmem>>, %arg7: memref<640x64xf32, #tpu.memory_space<vmem>>, %arg8: memref<!tpu.dma_semaphore, #tpu.memory_space<semaphore_mem>>, %arg9: memref<!tpu.dma_semaphore, #tpu.memory_space<semaphore_mem>>, %arg10: memref<!tpu.dma_semaphore, #tpu.memory_space<semaphore_mem>>, %arg11: memref<!tpu.dma_semaphore, #tpu.memory_space<semaphore_mem>>) attributes {dimension_semantics = [#tpu.dimension_semantics<core_parallel>, #tpu.dimension_semantics<subcore_parallel>], iteration_bounds = array<i64: 2, 16>, scalar_prefetch = 0 : i64, scratch_operands = 7 : i64, tpu.core_type = #tpu.core_type<sc_vector_subcore>, window_params = [{transform_indices = #map}, {transform_indices = #map}, {transform_indices = #map}]} {
    %mul3A = arith.constant 2 : i32
    %mul3A_0 = arith.muli %arg1, %mul3A : i32
    %add3A = arith.addi %mul3A_0, %arg0 : i32
    %mul3A_1 = arith.constant 200 : i32
    %mul3A_2 = arith.muli %add3A, %mul3A_1 : i32
    %mul3A_3 = arith.constant 128 : i32
    %mul3A_4 = arith.muli %mul3A_2, %mul3A_3 : i32
    %mul3A_5 = arith.constant 200 : i32
    %mul3A_6 = arith.muli %add3A, %mul3A_5 : i32
    "tpu.region"() ({
      %run_scoped3A = tpu.sem_alloc : memref<!tpu.dma_semaphore, #tpu.memory_space<semaphore_mem>>
      %dma_start3A_71 = arith.constant 0 : i32
      %dma_start3A_72 = tpu.memref_slice %arg2[%mul3A_6, %dma_start3A_71] : memref<6400x128xi32, #tpu.memory_space<hbm>> -> memref<200x128xi32, #tpu.memory_space<hbm>>
      %dma_start3A_73 = arith.constant 0 : i32
      %dma_start3A_74 = tpu.memref_slice %arg2[%mul3A_6, %dma_start3A_73] : memref<6400x128xi32, #tpu.memory_space<hbm>> -> memref<200x128xi32, #tpu.memory_space<hbm>>
      tpu.enqueue_dma source(%dma_start3A_74 : memref<200x128xi32, #tpu.memory_space<hbm>>) target(%arg5 : memref<200x128xi32, #tpu.memory_space<vmem>>) target_semaphore(%run_scoped3A : memref<!tpu.dma_semaphore, #tpu.memory_space<semaphore_mem>>)
      %dma_wait3A_75 = arith.constant 0 : i32
      %dma_wait3A_76 = tpu.memref_slice %arg2[%mul3A_6, %dma_wait3A_75] : memref<6400x128xi32, #tpu.memory_space<hbm>> -> memref<200x128xi32, #tpu.memory_space<hbm>>
      %dma_wait3A_77 = arith.constant 0 : i32
      %dma_wait3A_78 = tpu.memref_slice %arg2[%mul3A_6, %dma_wait3A_77] : memref<6400x128xi32, #tpu.memory_space<hbm>> -> memref<200x128xi32, #tpu.memory_space<hbm>>
      tpu.wait_dma2 semaphore(%run_scoped3A : memref<!tpu.dma_semaphore, #tpu.memory_space<semaphore_mem>>) src(%dma_wait3A_78 : memref<200x128xi32, #tpu.memory_space<hbm>>) dst(%arg5 : memref<200x128xi32, #tpu.memory_space<vmem>>)
      tpu.yield
    }) : () -> ()
    %dma_start3A = arith.constant 0 : i32
    %dma_start3A_7 = arith.constant 0 : i32
    %dma_start3A_8 = arith.constant 0 : i32
    %dma_start3A_9 = tpu.memref_slice %arg6[%dma_start3A_7, %dma_start3A_8] : memref<640x64xf32, #tpu.memory_space<vmem>> -> memref<128x64xf32, #tpu.memory_space<vmem>>
    %dma_start3A_10 = arith.constant 0 : i32
    %dma_start3A_11 = tpu.memref_slice %arg5[%dma_start3A, %dma_start3A_10] : memref<200x128xi32, #tpu.memory_space<vmem>> -> memref<1x128xi32, #tpu.memory_space<vmem>>
    %dma_start3A_12 = tpu.memref_squeeze %dma_start3A_11 : memref<1x128xi32, #tpu.memory_space<vmem>> -> memref<128xi32, #tpu.memory_space<vmem>>
    %dma_start3A_13 = arith.constant 0 : i32
    %dma_start3A_14 = arith.constant 0 : i32
    %dma_start3A_15 = tpu.memref_slice %arg3[%dma_start3A_13, %dma_start3A_14] : memref<1000000x64xf32, #tpu.memory_space<hbm>> -> memref<1000000x64xf32, #tpu.memory_space<hbm>>
    tpu.enqueue_indirect_dma source(%dma_start3A_15 : memref<1000000x64xf32, #tpu.memory_space<hbm>>) target(%dma_start3A_9 : memref<128x64xf32, #tpu.memory_space<vmem>>) offsets(%dma_start3A_12 : memref<128xi32, #tpu.memory_space<vmem>>) semaphore(%arg8 : memref<!tpu.dma_semaphore, #tpu.memory_space<semaphore_mem>>)
    %dma_start3A_16 = arith.constant 1 : i32
    %dma_start3A_17 = arith.constant 128 : i32
    %dma_start3A_18 = arith.constant 0 : i32
    %dma_start3A_19 = tpu.memref_slice %arg6[%dma_start3A_17, %dma_start3A_18] : memref<640x64xf32, #tpu.memory_space<vmem>> -> memref<128x64xf32, #tpu.memory_space<vmem>>
    %dma_start3A_20 = arith.constant 0 : i32
    %dma_start3A_21 = tpu.memref_slice %arg5[%dma_start3A_16, %dma_start3A_20] : memref<200x128xi32, #tpu.memory_space<vmem>> -> memref<1x128xi32, #tpu.memory_space<vmem>>
    %dma_start3A_22 = tpu.memref_squeeze %dma_start3A_21 : memref<1x128xi32, #tpu.memory_space<vmem>> -> memref<128xi32, #tpu.memory_space<vmem>>
    %dma_start3A_23 = arith.constant 0 : i32
    %dma_start3A_24 = arith.constant 0 : i32
    %dma_start3A_25 = tpu.memref_slice %arg3[%dma_start3A_23, %dma_start3A_24] : memref<1000000x64xf32, #tpu.memory_space<hbm>> -> memref<1000000x64xf32, #tpu.memory_space<hbm>>
    tpu.enqueue_indirect_dma source(%dma_start3A_25 : memref<1000000x64xf32, #tpu.memory_space<hbm>>) target(%dma_start3A_19 : memref<128x64xf32, #tpu.memory_space<vmem>>) offsets(%dma_start3A_22 : memref<128xi32, #tpu.memory_space<vmem>>) semaphore(%arg8 : memref<!tpu.dma_semaphore, #tpu.memory_space<semaphore_mem>>)
    %dma_start3A_26 = arith.constant 2 : i32
    %dma_start3A_27 = arith.constant 256 : i32
    %dma_start3A_28 = arith.constant 0 : i32
    %dma_start3A_29 = tpu.memref_slice %arg6[%dma_start3A_27, %dma_start3A_28] : memref<640x64xf32, #tpu.memory_space<vmem>> -> memref<128x64xf32, #tpu.memory_space<vmem>>
    %dma_start3A_30 = arith.constant 0 : i32
    %dma_start3A_31 = tpu.memref_slice %arg5[%dma_start3A_26, %dma_start3A_30] : memref<200x128xi32, #tpu.memory_space<vmem>> -> memref<1x128xi32, #tpu.memory_space<vmem>>
    %dma_start3A_32 = tpu.memref_squeeze %dma_start3A_31 : memref<1x128xi32, #tpu.memory_space<vmem>> -> memref<128xi32, #tpu.memory_space<vmem>>
    %dma_start3A_33 = arith.constant 0 : i32
    %dma_start3A_34 = arith.constant 0 : i32
    %dma_start3A_35 = tpu.memref_slice %arg3[%dma_start3A_33, %dma_start3A_34] : memref<1000000x64xf32, #tpu.memory_space<hbm>> -> memref<1000000x64xf32, #tpu.memory_space<hbm>>
    tpu.enqueue_indirect_dma source(%dma_start3A_35 : memref<1000000x64xf32, #tpu.memory_space<hbm>>) target(%dma_start3A_29 : memref<128x64xf32, #tpu.memory_space<vmem>>) offsets(%dma_start3A_32 : memref<128xi32, #tpu.memory_space<vmem>>) semaphore(%arg8 : memref<!tpu.dma_semaphore, #tpu.memory_space<semaphore_mem>>)
    %dma_start3A_36 = arith.constant 3 : i32
    %dma_start3A_37 = arith.constant 384 : i32
    %dma_start3A_38 = arith.constant 0 : i32
    %dma_start3A_39 = tpu.memref_slice %arg6[%dma_start3A_37, %dma_start3A_38] : memref<640x64xf32, #tpu.memory_space<vmem>> -> memref<128x64xf32, #tpu.memory_space<vmem>>
    %dma_start3A_40 = arith.constant 0 : i32
    %dma_start3A_41 = tpu.memref_slice %arg5[%dma_start3A_36, %dma_start3A_40] : memref<200x128xi32, #tpu.memory_space<vmem>> -> memref<1x128xi32, #tpu.memory_space<vmem>>
    %dma_start3A_42 = tpu.memref_squeeze %dma_start3A_41 : memref<1x128xi32, #tpu.memory_space<vmem>> -> memref<128xi32, #tpu.memory_space<vmem>>
    %dma_start3A_43 = arith.constant 0 : i32
    %dma_start3A_44 = arith.constant 0 : i32
    %dma_start3A_45 = tpu.memref_slice %arg3[%dma_start3A_43, %dma_start3A_44] : memref<1000000x64xf32, #tpu.memory_space<hbm>> -> memref<1000000x64xf32, #tpu.memory_space<hbm>>
    tpu.enqueue_indirect_dma source(%dma_start3A_45 : memref<1000000x64xf32, #tpu.memory_space<hbm>>) target(%dma_start3A_39 : memref<128x64xf32, #tpu.memory_space<vmem>>) offsets(%dma_start3A_42 : memref<128xi32, #tpu.memory_space<vmem>>) semaphore(%arg8 : memref<!tpu.dma_semaphore, #tpu.memory_space<semaphore_mem>>)
    %dma_start3A_46 = arith.constant 4 : i32
    %dma_start3A_47 = arith.constant 512 : i32
    %dma_start3A_48 = arith.constant 0 : i32
    %dma_start3A_49 = tpu.memref_slice %arg6[%dma_start3A_47, %dma_start3A_48] : memref<640x64xf32, #tpu.memory_space<vmem>> -> memref<128x64xf32, #tpu.memory_space<vmem>>
    %dma_start3A_50 = arith.constant 0 : i32
    %dma_start3A_51 = tpu.memref_slice %arg5[%dma_start3A_46, %dma_start3A_50] : memref<200x128xi32, #tpu.memory_space<vmem>> -> memref<1x128xi32, #tpu.memory_space<vmem>>
    %dma_start3A_52 = tpu.memref_squeeze %dma_start3A_51 : memref<1x128xi32, #tpu.memory_space<vmem>> -> memref<128xi32, #tpu.memory_space<vmem>>
    %dma_start3A_53 = arith.constant 0 : i32
    %dma_start3A_54 = arith.constant 0 : i32
    %dma_start3A_55 = tpu.memref_slice %arg3[%dma_start3A_53, %dma_start3A_54] : memref<1000000x64xf32, #tpu.memory_space<hbm>> -> memref<1000000x64xf32, #tpu.memory_space<hbm>>
    tpu.enqueue_indirect_dma source(%dma_start3A_55 : memref<1000000x64xf32, #tpu.memory_space<hbm>>) target(%dma_start3A_49 : memref<128x64xf32, #tpu.memory_space<vmem>>) offsets(%dma_start3A_52 : memref<128xi32, #tpu.memory_space<vmem>>) semaphore(%arg8 : memref<!tpu.dma_semaphore, #tpu.memory_space<semaphore_mem>>)
    %scan3A = arith.constant 0 : i32
    %scan3A_56 = arith.constant 20 : i32
    %scan3A_57 = arith.addi %scan3A, %scan3A_56 : i32
    %scan3A_58 = arith.constant 1 : i32
    scf.for %scan3A_71 = %scan3A to %scan3A_57 step %scan3A_58  : i32 {
      %mul3A_72 = arith.constant 2 : i32
      %mul3A_73 = arith.muli %scan3A_71, %mul3A_72 : i32
      %add3A_74 = arith.constant 0 : i32
      %add3A_75 = arith.addi %add3A_74, %mul3A_73 : i32
      %add3A_76 = arith.constant 1 : i32
      %add3A_77 = arith.addi %add3A_75, %add3A_76 : i32
      %gt3A = arith.constant 0 : i32
      %gt3A_78 = arith.cmpi sgt, %add3A_75, %gt3A : i32
      %convert_element_type3A = arith.extui %gt3A_78 : i1 to i32
      %cond3A = arith.constant 0 : i32
      %cond3A_79 = arith.cmpi ne, %convert_element_type3A, %cond3A : i32
      scf.if %cond3A_79 {
        %dma_wait3A_177 = arith.constant 0 : i32
        %dma_wait3A_178 = arith.constant 0 : i32
        %dma_wait3A_179 = tpu.memref_slice %arg4[%dma_wait3A_177, %dma_wait3A_178] : memref<819200x128xf32, #tpu.memory_space<hbm>> -> memref<640x64xf32, #tpu.memory_space<hbm>>
        %dma_wait3A_180 = arith.constant 0 : i32
        %dma_wait3A_181 = arith.constant 0 : i32
        %dma_wait3A_182 = tpu.memref_slice %arg4[%dma_wait3A_180, %dma_wait3A_181] : memref<819200x128xf32, #tpu.memory_space<hbm>> -> memref<640x64xf32, #tpu.memory_space<hbm>>
        tpu.wait_dma2 semaphore(%arg11 : memref<!tpu.dma_semaphore, #tpu.memory_space<semaphore_mem>>) src(%arg7 : memref<640x64xf32, #tpu.memory_space<vmem>>) dst(%dma_wait3A_182 : memref<640x64xf32, #tpu.memory_space<hbm>>)
      } else {
      }
      %mul3A_80 = arith.constant 5 : i32
      %mul3A_81 = arith.muli %add3A_77, %mul3A_80 : i32
      %add3A_82 = arith.constant 0 : i32
      %add3A_83 = arith.addi %mul3A_81, %add3A_82 : i32
      %dma_start3A_84 = arith.constant 0 : i32
      %dma_start3A_85 = arith.constant 0 : i32
      %dma_start3A_86 = tpu.memref_slice %arg7[%dma_start3A_84, %dma_start3A_85] : memref<640x64xf32, #tpu.memory_space<vmem>> -> memref<128x64xf32, #tpu.memory_space<vmem>>
      %dma_start3A_87 = arith.constant 0 : i32
      %dma_start3A_88 = tpu.memref_slice %arg5[%add3A_83, %dma_start3A_87] : memref<200x128xi32, #tpu.memory_space<vmem>> -> memref<1x128xi32, #tpu.memory_space<vmem>>
      %dma_start3A_89 = tpu.memref_squeeze %dma_start3A_88 : memref<1x128xi32, #tpu.memory_space<vmem>> -> memref<128xi32, #tpu.memory_space<vmem>>
      %dma_start3A_90 = arith.constant 0 : i32
      %dma_start3A_91 = arith.constant 0 : i32
      %dma_start3A_92 = tpu.memref_slice %arg3[%dma_start3A_90, %dma_start3A_91] : memref<1000000x64xf32, #tpu.memory_space<hbm>> -> memref<1000000x64xf32, #tpu.memory_space<hbm>>
      tpu.enqueue_indirect_dma source(%dma_start3A_92 : memref<1000000x64xf32, #tpu.memory_space<hbm>>) target(%dma_start3A_86 : memref<128x64xf32, #tpu.memory_space<vmem>>) offsets(%dma_start3A_89 : memref<128xi32, #tpu.memory_space<vmem>>) semaphore(%arg9 : memref<!tpu.dma_semaphore, #tpu.memory_space<semaphore_mem>>)
      %mul3A_93 = arith.constant 5 : i32
      %mul3A_94 = arith.muli %add3A_77, %mul3A_93 : i32
      %add3A_95 = arith.constant 1 : i32
      %add3A_96 = arith.addi %mul3A_94, %add3A_95 : i32
      %dma_start3A_97 = arith.constant 128 : i32
      %dma_start3A_98 = arith.constant 0 : i32
      %dma_start3A_99 = tpu.memref_slice %arg7[%dma_start3A_97, %dma_start3A_98] : memref<640x64xf32, #tpu.memory_space<vmem>> -> memref<128x64xf32, #tpu.memory_space<vmem>>
      %dma_start3A_100 = arith.constant 0 : i32
      %dma_start3A_101 = tpu.memref_slice %arg5[%add3A_96, %dma_start3A_100] : memref<200x128xi32, #tpu.memory_space<vmem>> -> memref<1x128xi32, #tpu.memory_space<vmem>>
      %dma_start3A_102 = tpu.memref_squeeze %dma_start3A_101 : memref<1x128xi32, #tpu.memory_space<vmem>> -> memref<128xi32, #tpu.memory_space<vmem>>
      %dma_start3A_103 = arith.constant 0 : i32
      %dma_start3A_104 = arith.constant 0 : i32
      %dma_start3A_105 = tpu.memref_slice %arg3[%dma_start3A_103, %dma_start3A_104] : memref<1000000x64xf32, #tpu.memory_space<hbm>> -> memref<1000000x64xf32, #tpu.memory_space<hbm>>
      tpu.enqueue_indirect_dma source(%dma_start3A_105 : memref<1000000x64xf32, #tpu.memory_space<hbm>>) target(%dma_start3A_99 : memref<128x64xf32, #tpu.memory_space<vmem>>) offsets(%dma_start3A_102 : memref<128xi32, #tpu.memory_space<vmem>>) semaphore(%arg9 : memref<!tpu.dma_semaphore, #tpu.memory_space<semaphore_mem>>)
      %mul3A_106 = arith.constant 5 : i32
      %mul3A_107 = arith.muli %add3A_77, %mul3A_106 : i32
      %add3A_108 = arith.constant 2 : i32
      %add3A_109 = arith.addi %mul3A_107, %add3A_108 : i32
      %dma_start3A_110 = arith.constant 256 : i32
      %dma_start3A_111 = arith.constant 0 : i32
      %dma_start3A_112 = tpu.memref_slice %arg7[%dma_start3A_110, %dma_start3A_111] : memref<640x64xf32, #tpu.memory_space<vmem>> -> memref<128x64xf32, #tpu.memory_space<vmem>>
      %dma_start3A_113 = arith.constant 0 : i32
      %dma_start3A_114 = tpu.memref_slice %arg5[%add3A_109, %dma_start3A_113] : memref<200x128xi32, #tpu.memory_space<vmem>> -> memref<1x128xi32, #tpu.memory_space<vmem>>
      %dma_start3A_115 = tpu.memref_squeeze %dma_start3A_114 : memref<1x128xi32, #tpu.memory_space<vmem>> -> memref<128xi32, #tpu.memory_space<vmem>>
      %dma_start3A_116 = arith.constant 0 : i32
      %dma_start3A_117 = arith.constant 0 : i32
      %dma_start3A_118 = tpu.memref_slice %arg3[%dma_start3A_116, %dma_start3A_117] : memref<1000000x64xf32, #tpu.memory_space<hbm>> -> memref<1000000x64xf32, #tpu.memory_space<hbm>>
      tpu.enqueue_indirect_dma source(%dma_start3A_118 : memref<1000000x64xf32, #tpu.memory_space<hbm>>) target(%dma_start3A_112 : memref<128x64xf32, #tpu.memory_space<vmem>>) offsets(%dma_start3A_115 : memref<128xi32, #tpu.memory_space<vmem>>) semaphore(%arg9 : memref<!tpu.dma_semaphore, #tpu.memory_space<semaphore_mem>>)
      %mul3A_119 = arith.constant 5 : i32
      %mul3A_120 = arith.muli %add3A_77, %mul3A_119 : i32
      %add3A_121 = arith.constant 3 : i32
      %add3A_122 = arith.addi %mul3A_120, %add3A_121 : i32
      %dma_start3A_123 = arith.constant 384 : i32
      %dma_start3A_124 = arith.constant 0 : i32
      %dma_start3A_125 = tpu.memref_slice %arg7[%dma_start3A_123, %dma_start3A_124] : memref<640x64xf32, #tpu.memory_space<vmem>> -> memref<128x64xf32, #tpu.memory_space<vmem>>
      %dma_start3A_126 = arith.constant 0 : i32
      %dma_start3A_127 = tpu.memref_slice %arg5[%add3A_122, %dma_start3A_126] : memref<200x128xi32, #tpu.memory_space<vmem>> -> memref<1x128xi32, #tpu.memory_space<vmem>>
      %dma_start3A_128 = tpu.memref_squeeze %dma_start3A_127 : memref<1x128xi32, #tpu.memory_space<vmem>> -> memref<128xi32, #tpu.memory_space<vmem>>
      %dma_start3A_129 = arith.constant 0 : i32
      %dma_start3A_130 = arith.constant 0 : i32
      %dma_start3A_131 = tpu.memref_slice %arg3[%dma_start3A_129, %dma_start3A_130] : memref<1000000x64xf32, #tpu.memory_space<hbm>> -> memref<1000000x64xf32, #tpu.memory_space<hbm>>
      tpu.enqueue_indirect_dma source(%dma_start3A_131 : memref<1000000x64xf32, #tpu.memory_space<hbm>>) target(%dma_start3A_125 : memref<128x64xf32, #tpu.memory_space<vmem>>) offsets(%dma_start3A_128 : memref<128xi32, #tpu.memory_space<vmem>>) semaphore(%arg9 : memref<!tpu.dma_semaphore, #tpu.memory_space<semaphore_mem>>)
      %mul3A_132 = arith.constant 5 : i32
      %mul3A_133 = arith.muli %add3A_77, %mul3A_132 : i32
      %add3A_134 = arith.constant 4 : i32
      %add3A_135 = arith.addi %mul3A_133, %add3A_134 : i32
      %dma_start3A_136 = arith.constant 512 : i32
      %dma_start3A_137 = arith.constant 0 : i32
      %dma_start3A_138 = tpu.memref_slice %arg7[%dma_start3A_136, %dma_start3A_137] : memref<640x64xf32, #tpu.memory_space<vmem>> -> memref<128x64xf32, #tpu.memory_space<vmem>>
      %dma_start3A_139 = arith.constant 0 : i32
      %dma_start3A_140 = tpu.memref_slice %arg5[%add3A_135, %dma_start3A_139] : memref<200x128xi32, #tpu.memory_space<vmem>> -> memref<1x128xi32, #tpu.memory_space<vmem>>
      %dma_start3A_141 = tpu.memref_squeeze %dma_start3A_140 : memref<1x128xi32, #tpu.memory_space<vmem>> -> memref<128xi32, #tpu.memory_space<vmem>>
      %dma_start3A_142 = arith.constant 0 : i32
      %dma_start3A_143 = arith.constant 0 : i32
      %dma_start3A_144 = tpu.memref_slice %arg3[%dma_start3A_142, %dma_start3A_143] : memref<1000000x64xf32, #tpu.memory_space<hbm>> -> memref<1000000x64xf32, #tpu.memory_space<hbm>>
      tpu.enqueue_indirect_dma source(%dma_start3A_144 : memref<1000000x64xf32, #tpu.memory_space<hbm>>) target(%dma_start3A_138 : memref<128x64xf32, #tpu.memory_space<vmem>>) offsets(%dma_start3A_141 : memref<128xi32, #tpu.memory_space<vmem>>) semaphore(%arg9 : memref<!tpu.dma_semaphore, #tpu.memory_space<semaphore_mem>>)
      %dma_wait3A_145 = arith.constant 0 : i32
      %dma_wait3A_146 = arith.constant 0 : i32
      %dma_wait3A_147 = tpu.memref_slice %arg3[%dma_wait3A_145, %dma_wait3A_146] : memref<1000000x64xf32, #tpu.memory_space<hbm>> -> memref<640x64xf32, #tpu.memory_space<hbm>>
      %dma_wait3A_148 = arith.constant 0 : i32
      %dma_wait3A_149 = arith.constant 0 : i32
      %dma_wait3A_150 = tpu.memref_slice %arg3[%dma_wait3A_148, %dma_wait3A_149] : memref<1000000x64xf32, #tpu.memory_space<hbm>> -> memref<640x64xf32, #tpu.memory_space<hbm>>
      tpu.wait_dma2 semaphore(%arg8 : memref<!tpu.dma_semaphore, #tpu.memory_space<semaphore_mem>>) src(%dma_wait3A_150 : memref<640x64xf32, #tpu.memory_space<hbm>>) dst(%arg6 : memref<640x64xf32, #tpu.memory_space<vmem>>)
      %mul3A_151 = arith.constant 640 : i32
      %mul3A_152 = arith.muli %add3A_75, %mul3A_151 : i32
      %add3A_153 = arith.addi %mul3A_4, %mul3A_152 : i32
      %dma_start3A_154 = arith.constant 0 : i32
      %dma_start3A_155 = tpu.memref_slice %arg4[%add3A_153, %dma_start3A_154] : memref<819200x128xf32, #tpu.memory_space<hbm>> -> memref<640x64xf32, #tpu.memory_space<hbm>>
      %dma_start3A_156 = arith.constant 0 : i32
      %dma_start3A_157 = tpu.memref_slice %arg4[%add3A_153, %dma_start3A_156] : memref<819200x128xf32, #tpu.memory_space<hbm>> -> memref<640x64xf32, #tpu.memory_space<hbm>>
      tpu.enqueue_dma source(%arg6 : memref<640x64xf32, #tpu.memory_space<vmem>>) target(%dma_start3A_157 : memref<640x64xf32, #tpu.memory_space<hbm>>) target_semaphore(%arg10 : memref<!tpu.dma_semaphore, #tpu.memory_space<semaphore_mem>>)
      %add3A_158 = arith.constant 2 : i32
      %add3A_159 = arith.addi %add3A_75, %add3A_158 : i32
      %lt3A = arith.constant 40 : i32
      %lt3A_160 = arith.cmpi slt, %add3A_159, %lt3A : i32
      %convert_element_type3A_161 = arith.extui %lt3A_160 : i1 to i32
      %cond3A_162 = arith.constant 0 : i32
      %cond3A_163 = arith.cmpi ne, %convert_element_type3A_161, %cond3A_162 : i32
      scf.if %cond3A_163 {
        %dma_wait3A_177 = arith.constant 0 : i32
        %dma_wait3A_178 = arith.constant 0 : i32
        %dma_wait3A_179 = tpu.memref_slice %arg4[%dma_wait3A_177, %dma_wait3A_178] : memref<819200x128xf32, #tpu.memory_space<hbm>> -> memref<640x64xf32, #tpu.memory_space<hbm>>
        %dma_wait3A_180 = arith.constant 0 : i32
        %dma_wait3A_181 = arith.constant 0 : i32
        %dma_wait3A_182 = tpu.memref_slice %arg4[%dma_wait3A_180, %dma_wait3A_181] : memref<819200x128xf32, #tpu.memory_space<hbm>> -> memref<640x64xf32, #tpu.memory_space<hbm>>
        tpu.wait_dma2 semaphore(%arg10 : memref<!tpu.dma_semaphore, #tpu.memory_space<semaphore_mem>>) src(%arg6 : memref<640x64xf32, #tpu.memory_space<vmem>>) dst(%dma_wait3A_182 : memref<640x64xf32, #tpu.memory_space<hbm>>)
        %add3A_183 = arith.constant 2 : i32
        %add3A_184 = arith.addi %add3A_75, %add3A_183 : i32
        %mul3A_185 = arith.constant 5 : i32
        %mul3A_186 = arith.muli %add3A_184, %mul3A_185 : i32
        %add3A_187 = arith.constant 0 : i32
        %add3A_188 = arith.addi %mul3A_186, %add3A_187 : i32
        %dma_start3A_189 = arith.constant 0 : i32
        %dma_start3A_190 = arith.constant 0 : i32
        %dma_start3A_191 = tpu.memref_slice %arg6[%dma_start3A_189, %dma_start3A_190] : memref<640x64xf32, #tpu.memory_space<vmem>> -> memref<128x64xf32, #tpu.memory_space<vmem>>
        %dma_start3A_192 = arith.constant 0 : i32
        %dma_start3A_193 = tpu.memref_slice %arg5[%add3A_188, %dma_start3A_192] : memref<200x128xi32, #tpu.memory_space<vmem>> -> memref<1x128xi32, #tpu.memory_space<vmem>>
        %dma_start3A_194 = tpu.memref_squeeze %dma_start3A_193 : memref<1x128xi32, #tpu.memory_space<vmem>> -> memref<128xi32, #tpu.memory_space<vmem>>
        %dma_start3A_195 = arith.constant 0 : i32
        %dma_start3A_196 = arith.constant 0 : i32
        %dma_start3A_197 = tpu.memref_slice %arg3[%dma_start3A_195, %dma_start3A_196] : memref<1000000x64xf32, #tpu.memory_space<hbm>> -> memref<1000000x64xf32, #tpu.memory_space<hbm>>
        tpu.enqueue_indirect_dma source(%dma_start3A_197 : memref<1000000x64xf32, #tpu.memory_space<hbm>>) target(%dma_start3A_191 : memref<128x64xf32, #tpu.memory_space<vmem>>) offsets(%dma_start3A_194 : memref<128xi32, #tpu.memory_space<vmem>>) semaphore(%arg8 : memref<!tpu.dma_semaphore, #tpu.memory_space<semaphore_mem>>)
        %mul3A_198 = arith.constant 5 : i32
        %mul3A_199 = arith.muli %add3A_184, %mul3A_198 : i32
        %add3A_200 = arith.constant 1 : i32
        %add3A_201 = arith.addi %mul3A_199, %add3A_200 : i32
        %dma_start3A_202 = arith.constant 128 : i32
        %dma_start3A_203 = arith.constant 0 : i32
        %dma_start3A_204 = tpu.memref_slice %arg6[%dma_start3A_202, %dma_start3A_203] : memref<640x64xf32, #tpu.memory_space<vmem>> -> memref<128x64xf32, #tpu.memory_space<vmem>>
        %dma_start3A_205 = arith.constant 0 : i32
        %dma_start3A_206 = tpu.memref_slice %arg5[%add3A_201, %dma_start3A_205] : memref<200x128xi32, #tpu.memory_space<vmem>> -> memref<1x128xi32, #tpu.memory_space<vmem>>
        %dma_start3A_207 = tpu.memref_squeeze %dma_start3A_206 : memref<1x128xi32, #tpu.memory_space<vmem>> -> memref<128xi32, #tpu.memory_space<vmem>>
        %dma_start3A_208 = arith.constant 0 : i32
        %dma_start3A_209 = arith.constant 0 : i32
        %dma_start3A_210 = tpu.memref_slice %arg3[%dma_start3A_208, %dma_start3A_209] : memref<1000000x64xf32, #tpu.memory_space<hbm>> -> memref<1000000x64xf32, #tpu.memory_space<hbm>>
        tpu.enqueue_indirect_dma source(%dma_start3A_210 : memref<1000000x64xf32, #tpu.memory_space<hbm>>) target(%dma_start3A_204 : memref<128x64xf32, #tpu.memory_space<vmem>>) offsets(%dma_start3A_207 : memref<128xi32, #tpu.memory_space<vmem>>) semaphore(%arg8 : memref<!tpu.dma_semaphore, #tpu.memory_space<semaphore_mem>>)
        %mul3A_211 = arith.constant 5 : i32
        %mul3A_212 = arith.muli %add3A_184, %mul3A_211 : i32
        %add3A_213 = arith.constant 2 : i32
        %add3A_214 = arith.addi %mul3A_212, %add3A_213 : i32
        %dma_start3A_215 = arith.constant 256 : i32
        %dma_start3A_216 = arith.constant 0 : i32
        %dma_start3A_217 = tpu.memref_slice %arg6[%dma_start3A_215, %dma_start3A_216] : memref<640x64xf32, #tpu.memory_space<vmem>> -> memref<128x64xf32, #tpu.memory_space<vmem>>
        %dma_start3A_218 = arith.constant 0 : i32
        %dma_start3A_219 = tpu.memref_slice %arg5[%add3A_214, %dma_start3A_218] : memref<200x128xi32, #tpu.memory_space<vmem>> -> memref<1x128xi32, #tpu.memory_space<vmem>>
        %dma_start3A_220 = tpu.memref_squeeze %dma_start3A_219 : memref<1x128xi32, #tpu.memory_space<vmem>> -> memref<128xi32, #tpu.memory_space<vmem>>
        %dma_start3A_221 = arith.constant 0 : i32
        %dma_start3A_222 = arith.constant 0 : i32
        %dma_start3A_223 = tpu.memref_slice %arg3[%dma_start3A_221, %dma_start3A_222] : memref<1000000x64xf32, #tpu.memory_space<hbm>> -> memref<1000000x64xf32, #tpu.memory_space<hbm>>
        tpu.enqueue_indirect_dma source(%dma_start3A_223 : memref<1000000x64xf32, #tpu.memory_space<hbm>>) target(%dma_start3A_217 : memref<128x64xf32, #tpu.memory_space<vmem>>) offsets(%dma_start3A_220 : memref<128xi32, #tpu.memory_space<vmem>>) semaphore(%arg8 : memref<!tpu.dma_semaphore, #tpu.memory_space<semaphore_mem>>)
        %mul3A_224 = arith.constant 5 : i32
        %mul3A_225 = arith.muli %add3A_184, %mul3A_224 : i32
        %add3A_226 = arith.constant 3 : i32
        %add3A_227 = arith.addi %mul3A_225, %add3A_226 : i32
        %dma_start3A_228 = arith.constant 384 : i32
        %dma_start3A_229 = arith.constant 0 : i32
        %dma_start3A_230 = tpu.memref_slice %arg6[%dma_start3A_228, %dma_start3A_229] : memref<640x64xf32, #tpu.memory_space<vmem>> -> memref<128x64xf32, #tpu.memory_space<vmem>>
        %dma_start3A_231 = arith.constant 0 : i32
        %dma_start3A_232 = tpu.memref_slice %arg5[%add3A_227, %dma_start3A_231] : memref<200x128xi32, #tpu.memory_space<vmem>> -> memref<1x128xi32, #tpu.memory_space<vmem>>
        %dma_start3A_233 = tpu.memref_squeeze %dma_start3A_232 : memref<1x128xi32, #tpu.memory_space<vmem>> -> memref<128xi32, #tpu.memory_space<vmem>>
        %dma_start3A_234 = arith.constant 0 : i32
        %dma_start3A_235 = arith.constant 0 : i32
        %dma_start3A_236 = tpu.memref_slice %arg3[%dma_start3A_234, %dma_start3A_235] : memref<1000000x64xf32, #tpu.memory_space<hbm>> -> memref<1000000x64xf32, #tpu.memory_space<hbm>>
        tpu.enqueue_indirect_dma source(%dma_start3A_236 : memref<1000000x64xf32, #tpu.memory_space<hbm>>) target(%dma_start3A_230 : memref<128x64xf32, #tpu.memory_space<vmem>>) offsets(%dma_start3A_233 : memref<128xi32, #tpu.memory_space<vmem>>) semaphore(%arg8 : memref<!tpu.dma_semaphore, #tpu.memory_space<semaphore_mem>>)
        %mul3A_237 = arith.constant 5 : i32
        %mul3A_238 = arith.muli %add3A_184, %mul3A_237 : i32
        %add3A_239 = arith.constant 4 : i32
        %add3A_240 = arith.addi %mul3A_238, %add3A_239 : i32
        %dma_start3A_241 = arith.constant 512 : i32
        %dma_start3A_242 = arith.constant 0 : i32
        %dma_start3A_243 = tpu.memref_slice %arg6[%dma_start3A_241, %dma_start3A_242] : memref<640x64xf32, #tpu.memory_space<vmem>> -> memref<128x64xf32, #tpu.memory_space<vmem>>
        %dma_start3A_244 = arith.constant 0 : i32
        %dma_start3A_245 = tpu.memref_slice %arg5[%add3A_240, %dma_start3A_244] : memref<200x128xi32, #tpu.memory_space<vmem>> -> memref<1x128xi32, #tpu.memory_space<vmem>>
        %dma_start3A_246 = tpu.memref_squeeze %dma_start3A_245 : memref<1x128xi32, #tpu.memory_space<vmem>> -> memref<128xi32, #tpu.memory_space<vmem>>
        %dma_start3A_247 = arith.constant 0 : i32
        %dma_start3A_248 = arith.constant 0 : i32
        %dma_start3A_249 = tpu.memref_slice %arg3[%dma_start3A_247, %dma_start3A_248] : memref<1000000x64xf32, #tpu.memory_space<hbm>> -> memref<1000000x64xf32, #tpu.memory_space<hbm>>
        tpu.enqueue_indirect_dma source(%dma_start3A_249 : memref<1000000x64xf32, #tpu.memory_space<hbm>>) target(%dma_start3A_243 : memref<128x64xf32, #tpu.memory_space<vmem>>) offsets(%dma_start3A_246 : memref<128xi32, #tpu.memory_space<vmem>>) semaphore(%arg8 : memref<!tpu.dma_semaphore, #tpu.memory_space<semaphore_mem>>)
      } else {
      }
      %dma_wait3A_164 = arith.constant 0 : i32
      %dma_wait3A_165 = arith.constant 0 : i32
      %dma_wait3A_166 = tpu.memref_slice %arg3[%dma_wait3A_164, %dma_wait3A_165] : memref<1000000x64xf32, #tpu.memory_space<hbm>> -> memref<640x64xf32, #tpu.memory_space<hbm>>
      %dma_wait3A_167 = arith.constant 0 : i32
      %dma_wait3A_168 = arith.constant 0 : i32
      %dma_wait3A_169 = tpu.memref_slice %arg3[%dma_wait3A_167, %dma_wait3A_168] : memref<1000000x64xf32, #tpu.memory_space<hbm>> -> memref<640x64xf32, #tpu.memory_space<hbm>>
      tpu.wait_dma2 semaphore(%arg9 : memref<!tpu.dma_semaphore, #tpu.memory_space<semaphore_mem>>) src(%dma_wait3A_169 : memref<640x64xf32, #tpu.memory_space<hbm>>) dst(%arg7 : memref<640x64xf32, #tpu.memory_space<vmem>>)
      %mul3A_170 = arith.constant 640 : i32
      %mul3A_171 = arith.muli %add3A_77, %mul3A_170 : i32
      %add3A_172 = arith.addi %mul3A_4, %mul3A_171 : i32
      %dma_start3A_173 = arith.constant 0 : i32
      %dma_start3A_174 = tpu.memref_slice %arg4[%add3A_172, %dma_start3A_173] : memref<819200x128xf32, #tpu.memory_space<hbm>> -> memref<640x64xf32, #tpu.memory_space<hbm>>
      %dma_start3A_175 = arith.constant 0 : i32
      %dma_start3A_176 = tpu.memref_slice %arg4[%add3A_172, %dma_start3A_175] : memref<819200x128xf32, #tpu.memory_space<hbm>> -> memref<640x64xf32, #tpu.memory_space<hbm>>
      tpu.enqueue_dma source(%arg7 : memref<640x64xf32, #tpu.memory_space<vmem>>) target(%dma_start3A_176 : memref<640x64xf32, #tpu.memory_space<hbm>>) target_semaphore(%arg11 : memref<!tpu.dma_semaphore, #tpu.memory_space<semaphore_mem>>)
    }
    %scan3A_59 = arith.constant 20 : i32
    %dma_wait3A = arith.constant 0 : i32
    %dma_wait3A_60 = arith.constant 0 : i32
    %dma_wait3A_61 = tpu.memref_slice %arg4[%dma_wait3A, %dma_wait3A_60] : memref<819200x128xf32, #tpu.memory_space<hbm>> -> memref<640x64xf32, #tpu.memory_space<hbm>>
    %dma_wait3A_62 = arith.constant 0 : i32
    %dma_wait3A_63 = arith.constant 0 : i32
    %dma_wait3A_64 = tpu.memref_slice %arg4[%dma_wait3A_62, %dma_wait3A_63] : memref<819200x128xf32, #tpu.memory_space<hbm>> -> memref<640x64xf32, #tpu.memory_space<hbm>>
    tpu.wait_dma2 semaphore(%arg10 : memref<!tpu.dma_semaphore, #tpu.memory_space<semaphore_mem>>) src(%arg6 : memref<640x64xf32, #tpu.memory_space<vmem>>) dst(%dma_wait3A_64 : memref<640x64xf32, #tpu.memory_space<hbm>>)
    %dma_wait3A_65 = arith.constant 0 : i32
    %dma_wait3A_66 = arith.constant 0 : i32
    %dma_wait3A_67 = tpu.memref_slice %arg4[%dma_wait3A_65, %dma_wait3A_66] : memref<819200x128xf32, #tpu.memory_space<hbm>> -> memref<640x64xf32, #tpu.memory_space<hbm>>
    %dma_wait3A_68 = arith.constant 0 : i32
    %dma_wait3A_69 = arith.constant 0 : i32
    %dma_wait3A_70 = tpu.memref_slice %arg4[%dma_wait3A_68, %dma_wait3A_69] : memref<819200x128xf32, #tpu.memory_space<hbm>> -> memref<640x64xf32, #tpu.memory_space<hbm>>
    tpu.wait_dma2 semaphore(%arg11 : memref<!tpu.dma_semaphore, #tpu.memory_space<semaphore_mem>>) src(%arg7 : memref<640x64xf32, #tpu.memory_space<vmem>>) dst(%dma_wait3A_70 : memref<640x64xf32, #tpu.memory_space<hbm>>)
    return
  }
}

module attributes {stable_mosaic.version = 14 : i64} {
  func.func @_masks_kernel(%arg0: memref<4096x200xi32, #tpu.memory_space<vmem>>, %arg1: memref<4096x200xi32, #tpu.memory_space<vmem>>, %arg2: memref<200x200xi32, #tpu.memory_space<vmem>>) attributes {dimension_semantics = [], scalar_prefetch = 0 : i64, scratch_operands = 0 : i64, tpu.core_type = #tpu.core_type<tc>} {
    %get3A = arith.constant 0 : index
    %get3A_0 = arith.constant 0 : index
    %get3A_1 = vector.load %arg0[%get3A, %get3A_0] : memref<4096x200xi32, #tpu.memory_space<vmem>>, vector<4096x200xi32>
    %eq3A = arith.constant 0 : i32
    %eq3A_2 = vector.broadcast %eq3A : i32 to vector<4096x200xi32>
    %eq3A_3 = arith.cmpi eq, %get3A_1, %eq3A_2 : vector<4096x200xi32>
    %swap3A = arith.constant 0 : index
    %swap3A_4 = arith.constant 0 : index
    %swap3A_5 = vector.load %arg1[%swap3A, %swap3A_4] : memref<4096x200xi32, #tpu.memory_space<vmem>>, vector<4096x200xi32>
    %swap3A_6 = arith.extui %eq3A_3 : vector<4096x200xi1> to vector<4096x200xi32>
    %swap3A_7 = arith.constant dense<0> : vector<4096x200xi32>
    %swap3A_8 = arith.cmpi ne, %swap3A_5, %swap3A_7 : vector<4096x200xi32>
    tpu.vector_store %arg1[%swap3A, %swap3A_4], %swap3A_6 {strides = array<i32>} : memref<4096x200xi32, #tpu.memory_space<vmem>>, vector<4096x200xi32>,
    %iota3A = tpu.iota {dimensions = array<i32: 0>} : vector<200x200xi32>
    %iota3A_9 = tpu.iota {dimensions = array<i32: 1>} : vector<200x200xi32>
    %gt3A = arith.cmpi sgt, %iota3A_9, %iota3A : vector<200x200xi32>
    %swap3A_10 = arith.constant 0 : index
    %swap3A_11 = arith.constant 0 : index
    %swap3A_12 = vector.load %arg2[%swap3A_10, %swap3A_11] : memref<200x200xi32, #tpu.memory_space<vmem>>, vector<200x200xi32>
    %swap3A_13 = arith.extui %gt3A : vector<200x200xi1> to vector<200x200xi32>
    %swap3A_14 = arith.constant dense<0> : vector<200x200xi32>
    %swap3A_15 = arith.cmpi ne, %swap3A_12, %swap3A_14 : vector<200x200xi32>
    tpu.vector_store %arg2[%swap3A_10, %swap3A_11], %swap3A_13 {strides = array<i32>} : memref<200x200xi32, #tpu.memory_space<vmem>>, vector<200x200xi32>,
    return
  }
}

</mosaic_0001>

<sc_bundles>
// kernel: kernel.4.cloned.1.call-start
scs
__scs_entry_jumppad:
0x0: {  	(pc) =	sbr.rel $0x88, $3  }
0x1: {  	(tag) =	ssettag $0x0;
	lr =	simm.s32 $0x1  }
0x2: {  	[smem:$0x3F9F] =	sst lr;
	_ =	strace $0xD0000000  }
0x3: {  	_ = 	snop  }
0x4: {  	_ = 	snop  }
0x5: {  	_ = 	snop  }
0x6: {  	_ = 	snop  }
0x7: {  	_ = 	snop  }
__scs_overlays_trampoline_lowered:
0x8: {  	[smem:$0x3FAE] =	sst s0  }
0x9: {  	[smem:$0x3FAF] =	sst s1  }
0xa: {  	[smem:$0x3FB0] =	sst s2  }
0xb: {  	[smem:$0x3FB1] =	sst s3  }
0xc: {  	[smem:$0x3FB2] =	sst s4  }
0xd: {  	[smem:$0x3FB3] =	sst s5  }
0xe: {  	[smem:$0x3FB4] =	sst s6  }
0xf: {  	[smem:$0x3FB5] =	sst s7  }
0x10: {  	[smem:$0x3FB6] =	sst s8  }
0x11: {  	[smem:$0x3FB7] =	sst s9;
	s0 =	simm.s32 @!p0 $0x0  }
0x12: {  	s1 =	sld [smem:$0x3F9D];
	s0 =	simm.s32 @p0 $0x1  }
0x13: {  	[smem:$0x3FB8] =	sst s0;
	s0 =	simm.s32 @!p1 $0x0  }
0x14: {  	s2 =	sld [smem:$0x3F9C];
	s0 =	simm.s32 @p1 $0x1  }
0x15: {  	[smem:$0x3FB9] =	sst s0;
	s0 =	simm.s32 @!p2 $0x0  }
0x16: {  	s3 =	sld [smem:$0x3FDB];
	s0 =	simm.s32 @p2 $0x1  }
0x17: {  	s4 =	simm.s32 $0x1BF5;
	[smem:$0x3FBB] =	sst s0  }
0x18: {  	s0 =	sld [smem:$0x3F9E];
	_ =	swait.ge [sflag:s4], $0x0  }
0x19: {  	s7 =	sld [smem:$0x3F9F]  }
0x1a: {  	s8 =	sadd.s32 $0xFFFFE003, lr  }
0x1b: {  	s9 =	sadd.s32 $0xFFFFFEF7, lr;
	s5 =	simm.s32 $0xFFFFFFFF;
	p2 =	slt.u32 s8, $0xFFFFF086  }
0x1c: {  	p1 =	slt.u32 s9, $0xF7A;
	s5 =	simm.s32 @!p2 $0x0  }
0x1d: {  	s5 =	simm.s32 @p1 $0x1;
	p0 =	seq.s32 s7, s2  }
0x1e: {  	s7 =	smul.u32 @!p0 $0xF7A, s2;
	p2 =	seq.s32 @!p0 s5, $0x0  }
0x1f: {  	s9 =	smul.u32 $0xF7A, s1;
	s8 =	simm.s32 @!p0 $0x1BF5;
	p2 =	por !p2, p0  }
0x20: {  	[sflag:s8] =	ssyncset.s32 @!p0 $0xFFFFF086;
	s6 =	sadd.s32 @!p0 s3, s7;
	s7 =	simm.s32 @!p0 $0x108  }
0x21: {  	s3 =	sadd.s32 s3, s9;
	s6 =	sadd.s32 @!p0 $0x88, s6;
	s7 =	simm.s32 @p2 $0x1082  }
0x22: {  	[simem:s7], [sflag:s8] =	dma.local @!p0 [hbm:s6], $0xF7A  }
0x23: {  	s9 =	sor.u32 $0xD0000000, s2;
	s6 =	simm.s32 $0x108;
	_ =	swait.ge @!p0 [sflag:s8], $0x0  }
0x24: {  	s3 =	sadd.s32 $0x88, s3;
	s6 =	simm.s32 @!p1 $0x1082;
	[sflag:s4] =	ssyncset.s32 $0xFFFFF086  }
0x25: {  	[simem:s6], [sflag:s4] =	dma.local [hbm:s3], $0xF7A  }
0x26: {  	[smem:$0x3F9F] =	sst s1;
	(tag) =	ssettag s2;
	_ =	strace s9  }
0x27: {  	s1 =	sld [smem:$0x3FAF]  }
0x28: {  	s2 =	sld [smem:$0x3FB0]  }
0x29: {  	s4 =	sld [smem:$0x3FB2]  }
0x2a: {  	p0 =	seq.s32 s5, $0x0;
	s5 =	sld [smem:$0x3FB3]  }
0x2b: {  	s6 =	sld [smem:$0x3FB4]  }
0x2c: {  	s7 =	sld [smem:$0x3FB5]  }
0x2d: {  	s3 =	simm.s32 $0x108;
	s8 =	sld [smem:$0x3FB6]  }
0x2e: {  	s3 =	simm.s32 @!p0 $0x1082;
	s9 =	sld [smem:$0x3FB7]  }
0x2f: {  	lr =	sadd.s32 s0, s3;
	s0 =	sld [smem:$0x3FAE]  }
0x30: {  	s3 =	sld [smem:$0x3FB1]  }
0x31: {  	[smem:$0x3FBA] =	sst s10  }
0x32: {  	s10 =	sld [smem:$0x3FB8];
	_ =	sdelay $0x3  }
0x33: {  	p0 =	seq.s32 s10, $0x1;
	s10 =	sld [smem:$0x3FBA];
	_ =	sdelay $0x3  }
0x34: {  	[smem:$0x3FBA] =	sst s10  }
0x35: {  	s10 =	sld [smem:$0x3FB9];
	_ =	sdelay $0x3  }
0x36: {  	p1 =	seq.s32 s10, $0x1;
	s10 =	sld [smem:$0x3FBA];
	_ =	sdelay $0x3  }
0x37: {  	[smem:$0x3FBA] =	sst s10  }
0x38: {  	s10 =	sld [smem:$0x3FBB]  }
0x39: {  	_ = 	snop;
	(pc) =	sbr.ind lr, $3  }
0x3a: {  	_ = 	snop  }
0x3b: {  	_ = 	snop  }
0x3c: {  	p2 =	seq.s32 s10, $0x1;
	s10 =	sld [smem:$0x3FBA]  }
0x3d: {  	_ =	shalt  }
0x3e: {  	_ =	shalt  }
0x3f: {  	_ =	shalt  }
0x40: {  	_ =	shalt  }
0x41: {  	_ =	shalt  }
0x42: {  	_ =	shalt  }
0x43: {  	_ =	shalt  }
0x44: {  	_ =	shalt  }
0x45: {  	_ =	shalt  }
0x46: {  	_ =	shalt  }
0x47: {  	_ =	shalt  }
0x48: {  	_ =	shalt  }
0x49: {  	_ =	shalt  }
0x4a: {  	_ =	shalt  }
0x4b: {  	_ =	shalt  }
0x4c: {  	_ =	shalt  }
0x4d: {  	_ =	shalt  }
0x4e: {  	_ =	shalt  }
0x4f: {  	_ =	shalt  }
0x50: {  	_ =	shalt  }
0x51: {  	_ =	shalt  }
0x52: {  	_ =	shalt  }
0x53: {  	_ =	shalt  }
0x54: {  	_ =	shalt  }
0x55: {  	_ =	shalt  }
0x56: {  	_ =	shalt  }
0x57: {  	_ =	shalt  }
0x58: {  	_ =	shalt  }
0x59: {  	_ =	shalt  }
0x5a: {  	_ =	shalt  }
0x5b: {  	_ =	shalt  }
0x5c: {  	_ =	shalt  }
0x5d: {  	_ =	shalt  }
0x5e: {  	_ =	shalt  }
0x5f: {  	_ =	shalt  }
0x60: {  	_ =	shalt  }
0x61: {  	_ =	shalt  }
0x62: {  	_ =	shalt  }
0x63: {  	_ =	shalt  }
0x64: {  	_ =	shalt  }
0x65: {  	_ =	shalt  }
0x66: {  	_ =	shalt  }
0x67: {  	_ =	shalt  }
0x68: {  	_ =	shalt  }
0x69: {  	_ =	shalt  }
0x6a: {  	_ =	shalt  }
0x6b: {  	_ =	shalt  }
0x6c: {  	_ =	shalt  }
0x6d: {  	_ =	shalt  }
0x6e: {  	_ =	shalt  }
0x6f: {  	_ =	shalt  }
0x70: {  	_ =	shalt  }
0x71: {  	_ =	shalt  }
0x72: {  	_ =	shalt  }
0x73: {  	_ =	shalt  }
0x74: {  	_ =	shalt  }
0x75: {  	_ =	shalt  }
0x76: {  	_ =	shalt  }
0x77: {  	_ =	shalt  }
0x78: {  	_ =	shalt  }
0x79: {  	_ =	shalt  }
0x7a: {  	_ =	shalt  }
0x7b: {  	_ =	shalt  }
0x7c: {  	_ =	shalt  }
0x7d: {  	_ =	shalt  }
0x7e: {  	_ =	shalt  }
0x7f: {  	_ =	shalt  }
0x80: {  	_ =	shalt  }
0x81: {  	_ =	shalt  }
0x82: {  	_ =	shalt  }
0x83: {  	_ =	shalt  }
0x84: {  	_ =	shalt  }
0x85: {  	_ =	shalt  }
0x86: {  	_ =	shalt  }
0x87: {  	_ =	shalt  }
.Lfunc_end0:
.L_simem_size_0:
called_computation.1_lowered:
.L_overlay_start_0:
0x88: {  	s2 =	sld [smem:$0x3FD9]  }
0x89: {  	s3 =	sld [smem:$0x3FFE];
	_ =	sdelay $0x1  }
0x8a: {  	s1 =	srdreg.scid  }
0x8b: {  	s0 =	sand.u32 $0x1, s1  }
0x8c: {  	s14 =	sshll.u32 s0, $0xA;
	s2 =	sadd.s32 s3, s2  }
0x8d: {  	s2 =	sadd.s32 s2, s14  }
0x8e: {  	[smem:$0x3FC6] =	sst s2  }
0x8f: {  	_ = 	snop  }
0x90: {  	s2 =	sld [smem:$0x3FD0];
	_ =	sdelay $0x2  }
0x91: {  	s15 =	simm.s32 $0xA;
	s4 =	simm.s32 $0x10  }
0x92: {  	[smem:s4], [sflag:s15] =	dma.local [hbm:s2], $0x1  }
0x93: {  	_ =	swait.eq [sflag:s15], $0x1  }
0x94: {  	[sflag:s15] =	ssyncset.done $0x0  }
0x95: {  	[sflag:s15] =	ssyncadd.s32 $0xFFFFFFFF  }
0x96: {  	s16 =	sld [smem:$0x10];
	(tm) =	ssettm $0x1  }
0x97: {  	s17 =	sld [smem:$0x3FFB];
	_ =	sdelay $0x3  }
0x98: {  	_ =	strace s17  }
0x99: {  	s3 =	sld [smem:$0x3FFC];
	_ =	sdelay $0x3  }
0x9a: {  	_ =	strace s3  }
0x9b: {  	s3 =	sld [smem:$0x3FFD];
	_ =	sdelay $0x3  }
0x9c: {  	_ =	strace s3  }
0x9d: {  	_ =	strace $0x8FFFFFFF  }
0x9e: {  	s18 =	sld [smem:$0x3FDB];
	_ =	sdelay $0x1  }
0x9f: {  	s19 =	simm.s32 $_scs_section_size  }
0xa0: {  	s5 =	simm.s32 $_size__tile_overlayer_lowered;
	s6 =	simm.s32 $_tile_overlayer_lowered  }
0xa1: {  	s22 =	simm.s32 $0x1BFF;
	s21 =	sshll.u32 s6, $0x1;
	s3 =	sadd.s32 s19, s18  }
0xa2: {  	s7 =	simm.s32 $0x0;
	s20 =	sshll.u32 s5, $0x1;
	s5 =	sadd.s32 s21, s3  }
0xa3: {  	[timem:s7], [sflag:s22] =	dma.local [hbm:s5], s20  }
0xa4: {  	_ =	swait.ge [sflag:s22], s20  }
0xa5: {  	s4 =	ssub.s32 $0x0, s20;
	[sflag:s22] =	ssyncset.done $0x0  }
0xa6: {  	[sflag:s22] =	ssyncadd.s32 s4;
	_ =	sdelay $0x1  }
0xa7: {  	s23 =	simm.s32 $0x1B8B  }
0xa8: {  	_ =	swait.ge [sflag:s23], $0x1  }
0xa9: {  	[sflag:s23] =	ssyncset.done $0x0  }
0xaa: {  	s25 =	simm.s32 $0x1B8E;
	s24 =	sld [smem:$0x3FFE];
	[sflag:s23] =	ssyncadd.s32 $0xFFFFFFFF  }
0xab: {  	s26 =	simm.s32 $execute0_lowered;
	[smem:$0x3FD2] =	sst s25  }
0xac: {  	s5 =	sshll.u32 s26, $0x1;
	_ =	strace $0x80000046;
	[dreg:$0x1] =	wrdreg $0xFFFFFFFF  }
0xad: {  	s28 =	simm.s32 $_size_execute0_lowered;
	s3 =	sadd.s32 s3, s5;
	[dreg:$0x0] =	wrdreg $0x0  }
0xae: {  	s5 =	sshll.u32 s28, $0x1;
	[dreg:$0x2] =	wrdreg s3  }
0xaf: {  	[dreg:$0x3] =	wrdreg s5  }
0xb0: {  	[dreg:$0x4] =	wrdreg $0xC0  }
0xb1: {  	_ =	task [dreg:s7], $0x5FFFF  }
0xb2: {  	[dreg:$0x1] =	wrdreg $0xFFFFFFFF  }
0xb3: {  	[dreg:$0x0] =	wrdreg $0x60  }
0xb4: {  	[dreg:$0x2] =	wrdreg s16  }
0xb5: {  	[dreg:$0x3] =	wrdreg s24  }
0xb6: {  	[dreg:$0x4] =	wrdreg $0x9  }
0xb7: {  	_ =	task.clear_ibuf [dreg:s7], $0x5FFFF;
	_ =	strace $0x90000046  }
0xb8: {  	s29 =	simm.s32 $0x9;
	_ =	strace $0x80000048  }
0xb9: {  	_ =	swait.ge [sflag:s29], $0x1  }
0xba: {  	[sflag:s29] =	ssyncadd.s32 $0xFFFFFFFF  }
0xbb: {  	_ =	strace $0x90000048  }
0xbc: {  	_ =	sfence  }
0xbd: {  	s30 =	sld [smem:$0x0];
	_ =	sdelay $0x2  }
0xbe: {  	s31 =	sshll.u32 s1, $0xD;
	s1 =	sshrl.u32 s1, $0x2  }
0xbf: {  	s3 =	sand.u32 $0x4000, s31;
	s1 =	sadd.s32 s1, s30  }
0xc0: {  	s0 =	sor.u32 s3, s0;
	s1 =	sshll.u32 s1, $0x11  }
0xc1: {  	s0 =	sor.u32 s1, s0  }
0xc2: {  	s0 =	sadd.s32 $0x8F2B, s0  }
0xc3: {  	[sflag:s0] =	ssyncadd.remote.s32 $0x1  }
0xc4: {  	_ =	sfence.sel $0xFFFF  }
0xc5: {  	[dreg:$0x0] =	wrdreg $0xFFFFFFFF;
	(pc) =	sbr.abs _section_cstart, $3  }
0xc6: {  	[dreg:$0x1] =	wrdreg $0xFFFFFFFF  }
0xc7: {  	_ =	task.clear_ibuf [dreg:s7], $0x2FFFF;
	_ =	strace $0x9FFFFFFF  }
0xc8: {  	(tm) =	ssettm $0x7FFFFFFF  }
0xc9: {  	_ =	shalt  }
tec
execute0_lowered:
.L_overlay_start_1:
0x0: {  	(tag) =	ssettag $0x1  }
0x1: {  	s0 =	rddreg [dreg:$0x0]  }
0x2: {  	s1 =	srdreg.scid;
	s9 =	stileid.u32  }
0x3: {  	s2 =	rddreg [dreg:$0x1];
	s4 =	simm.s32 $0x0;
	s12 =	simm.s32 $0x5  }
0x4: {  	s13 =	simm.s32 $0x80;
	s14 =	simm.s32 $0x6400;
	s15 =	simm.s32 $0x8400  }
0x5: {  	s17 =	simm.s32 $0xA400;
	s19 =	simm.s32 $0xC400;
	s21 =	simm.s32 $0xE400  }
0x6: {  	s28 =	simm.s32 $0x14400;
	s30 =	simm.s32 $0x16400;
	s8 =	smul.u32 $0xC800, s9  }
0x7: {  	s16 =	simm.s32 $0x40;
	s1 =	sand.u32 $0x1, s1;
	s25 =	smul.u32 $0xC8000, s9  }
0x8: {  	s18 =	simm.s32 $0x3;
	s3 =	sshll.u32 s9, $0x1;
	s23 =	smul.u32 $0x6400, s1  }
0x9: {  	s3 =	sor.u32 s1, s3;
	s5 =	ssub.s32 $0x2, s1;
	s1 =	smul.u32 $0x64000, s1  }
0xa: {  	s31 =	simm.s32 $0x2;
	[smem:$0x7FF] =	sst s4;
	s22 =	smul.u32 $0xC80, s3  }
0xb: {  	s20 =	simm.s32 $0x4;
	_ =	strace $0x80000047;
	s6 =	smul.u32 $0x64000, s3  }
0xc: {  	s3 =	sadd.s32 $0xF63200, s2;
	s7 =	sshrl.u32 s5, $0x1;
	s2 =	sadd.s32 $0x20E00, s2  }
0xd: {  	s5 =	ssub.s32 s5, s7;
	s8 =	sadd.s32 s23, s8;
	s0 =	sadd.s32 s0, s22  }
0xe: {  	s23 =	simm.s32 $0x10400;
	s24 =	smax.u32 s5, $0x1;
	[dreg:$0x3] =	wrdreg s0  }
0xf: {  	s6 =	sadd.s32 s2, s6;
	s26 =	sshll.u32 s8, $0x4;
	[dreg:$0x4] =	wrdreg s24  }
0x10: {  	s7 =	sadd.s32 $0x2800, s6;
	s0 =	sadd.s32 s25, s2;
	s8 =	sadd.s32 $0x5F000, s6  }
0x11: {  	s29 =	sadd.s32 s2, s26;
	s9 =	sadd.s32 $0x61800, s6;
	s25 =	simm.s32 $0x12400  }
0x12: {  	s24 =	simm.s32 $0x0;
	s0 =	sadd.s32 s1, s0;
	s2 =	sadd.s32 $0x7800, s29  }
0x13: {  	s1 =	simm.s32 $0x18400;
	s10 =	sadd.s32 $0x5000, s0;
	s0 =	simm.s32 $0x1  }
.LBB2_1:
0x14: {  	s4 =	simm.s32 $0x0;
	s5 =	rddreg [dreg:$0x3]  }
0x15: {  	[tilespmem:s4], [sflag:$0x5] =	stream.linear.gather [hbm4b:s5+s4], $0x6400, $0x38;
	[tilespmem:$0x1A400] =	vst v63  }
0x16: {  	_ =	swait.ge [sflag:s12], $0x6400  }
0x17: {  	[sflag:s12] =	ssyncset.done $0x0  }
0x18: {  	[sflag:s12] =	ssyncadd.s32 $0xFFFF9C00  }
0x19: {  	[tilespmem:s14], [sflag:$0x1] =	stream.indirect.gather [hbm4b:s3+s13], $0x40, s4, s13, $0xb8;
	[tilespmem:$0x1A400] =	vst v63  }
0x1a: {  	_ = 	snop  }
0x1b: {  	[tilespmem:s15], [sflag:$0x1] =	stream.indirect.gather [hbm4b:s3+s13], $0x40, s13, s13, $0xb8;
	[tilespmem:$0x1A400] =	vst v63  }
0x1c: {  	s22 =	simm.s32 $0x100  }
0x1d: {  	[tilespmem:s17], [sflag:$0x1] =	stream.indirect.gather [hbm4b:s3+s13], $0x40, s22, s13, $0xb8;
	[tilespmem:$0x1A400] =	vst v63  }
0x1e: {  	s26 =	simm.s32 $0x180  }
0x1f: {  	[tilespmem:s19], [sflag:$0x1] =	stream.indirect.gather [hbm4b:s3+s13], $0x40, s26, s13, $0xb8;
	[tilespmem:$0x1A400] =	vst v63  }
0x20: {  	s5 =	simm.s32 $0x200  }
0x21: {  	[tilespmem:s21], [sflag:$0x1] =	stream.indirect.gather [hbm4b:s3+s13], $0x40, s5, s13, $0xb8;
	[tilespmem:$0x1A400] =	vst v63  }
0x22: {  	s11 =	simm.s32 $0x280  }
0x23: {  	[tilespmem:s23], [sflag:$0x2] =	stream.indirect.gather [hbm4b:s3+s13], $0x40, s11, s13, $0xb8;
	[tilespmem:$0x1A400] =	vst v63  }
0x24: {  	s22 =	simm.s32 $0x300  }
0x25: {  	[tilespmem:s25], [sflag:$0x2] =	stream.indirect.gather [hbm4b:s3+s13], $0x40, s22, s13, $0xb8;
	[tilespmem:$0x1A400] =	vst v63  }
0x26: {  	s26 =	simm.s32 $0x380  }
0x27: {  	[tilespmem:s28], [sflag:$0x2] =	stream.indirect.gather [hbm4b:s3+s13], $0x40, s26, s13, $0xb8;
	[tilespmem:$0x1A400] =	vst v63  }
0x28: {  	s5 =	simm.s32 $0x400  }
0x29: {  	[tilespmem:s30], [sflag:$0x2] =	stream.indirect.gather [hbm4b:s3+s13], $0x40, s5, s13, $0xb8;
	[tilespmem:$0x1A400] =	vst v63  }
0x2a: {  	s11 =	simm.s32 $0x480  }
0x2b: {  	[tilespmem:s1], [sflag:$0x2] =	stream.indirect.gather [hbm4b:s3+s13], $0x40, s11, s13, $0xb8;
	[tilespmem:$0x1A400] =	vst v63  }
0x2c: {  	_ =	swait.ge [sflag:s0], $0xA000  }
0x2d: {  	[sflag:s0] =	ssyncset.done $0x0  }
0x2e: {  	[sflag:s0] =	ssyncadd.s32 $0xFFFF6000  }
0x2f: {  	[hbm4b:s6+s16] =	stream.strided.scatter [tilespmem:s14], [sflag:$0x3], $0xA000, s13, s16, $0x38;
	[tilespmem:$0x1A400] =	vst v63  }
0x30: {  	_ =	swait.ge [sflag:s18], $0xA000  }
0x31: {  	[sflag:s18] =	ssyncset.done $0x0  }
0x32: {  	s22 =	simm.s32 $0x500;
	[sflag:s18] =	ssyncadd.s32 $0xFFFF6000  }
0x33: {  	[tilespmem:s14], [sflag:$0x1] =	stream.indirect.gather [hbm4b:s3+s13], $0x40, s22, s13, $0xb8;
	[tilespmem:$0x1A400] =	vst v63  }
0x34: {  	s26 =	simm.s32 $0x580  }
0x35: {  	[tilespmem:s15], [sflag:$0x1] =	stream.indirect.gather [hbm4b:s3+s13], $0x40, s26, s13, $0xb8;
	[tilespmem:$0x1A400] =	vst v63  }
0x36: {  	s5 =	simm.s32 $0x600  }
0x37: {  	[tilespmem:s17], [sflag:$0x1] =	stream.indirect.gather [hbm4b:s3+s13], $0x40, s5, s13, $0xb8;
	[tilespmem:$0x1A400] =	vst v63  }
0x38: {  	s11 =	simm.s32 $0x680  }
0x39: {  	[tilespmem:s19], [sflag:$0x1] =	stream.indirect.gather [hbm4b:s3+s13], $0x40, s11, s13, $0xb8;
	[tilespmem:$0x1A400] =	vst v63  }
0x3a: {  	s22 =	simm.s32 $0x700  }
0x3b: {  	[tilespmem:s21], [sflag:$0x1] =	stream.indirect.gather [hbm4b:s3+s13], $0x40, s22, s13, $0xb8;
	[tilespmem:$0x1A400] =	vst v63  }
0x3c: {  	_ =	swait.ge [sflag:s31], $0xA000  }
0x3d: {  	[sflag:s31] =	ssyncset.done $0x0  }
0x3e: {  	[sflag:s31] =	ssyncadd.s32 $0xFFFF6000  }
0x3f: {  	[hbm4b:s7+s16] =	stream.strided.scatter [tilespmem:s23], [sflag:$0x4], $0xA000, s13, s16, $0x38;
	[tilespmem:$0x1A400] =	vst v63  }
0x40: {  	_ =	swait.ge [sflag:s20], $0xA000  }
0x41: {  	[sflag:s20] =	ssyncset.done $0x0  }
0x42: {  	s11 =	simm.s32 $0x780;
	[sflag:s20] =	ssyncadd.s32 $0xFFFF6000  }
0x43: {  	[tilespmem:s23], [sflag:$0x2] =	stream.indirect.gather [hbm4b:s3+s13], $0x40, s11, s13, $0xb8;
	[tilespmem:$0x1A400] =	vst v63  }
0x44: {  	s26 =	simm.s32 $0x800  }
0x45: {  	[tilespmem:s25], [sflag:$0x2] =	stream.indirect.gather [hbm4b:s3+s13], $0x40, s26, s13, $0xb8;
	[tilespmem:$0x1A400] =	vst v63  }
0x46: {  	s4 =	simm.s32 $0x880  }
0x47: {  	[tilespmem:s28], [sflag:$0x2] =	stream.indirect.gather [hbm4b:s3+s13], $0x40, s4, s13, $0xb8;
	[tilespmem:$0x1A400] =	vst v63  }
0x48: {  	s5 =	simm.s32 $0x900  }
0x49: {  	[tilespmem:s30], [sflag:$0x2] =	stream.indirect.gather [hbm4b:s3+s13], $0x40, s5, s13, $0xb8;
	[tilespmem:$0x1A400] =	vst v63  }
0x4a: {  	s22 =	simm.s32 $0x980  }
0x4b: {  	[tilespmem:s1], [sflag:$0x2] =	stream.indirect.gather [hbm4b:s3+s13], $0x40, s22, s13, $0xb8;
	[tilespmem:$0x1A400] =	vst v63  }
0x4c: {  	_ =	swait.ge [sflag:s0], $0xA000  }
0x4d: {  	[sflag:s0] =	ssyncset.done $0x0  }
0x4e: {  	[sflag:s0] =	ssyncadd.s32 $0xFFFF6000  }
0x4f: {  	[hbm4b:s10+s16] =	stream.strided.scatter [tilespmem:s14], [sflag:$0x3], $0xA000, s13, s16, $0x38;
	[tilespmem:$0x1A400] =	vst v63  }
0x50: {  	_ =	swait.ge [sflag:s18], $0xA000  }
0x51: {  	[sflag:s18] =	ssyncset.done $0x0  }
0x52: {  	s26 =	simm.s32 $0xA00;
	[sflag:s18] =	ssyncadd.s32 $0xFFFF6000  }
0x53: {  	[tilespmem:s14], [sflag:$0x1] =	stream.indirect.gather [hbm4b:s3+s13], $0x40, s26, s13, $0xb8;
	[tilespmem:$0x1A400] =	vst v63  }
0x54: {  	s4 =	simm.s32 $0xA80  }
0x55: {  	[tilespmem:s15], [sflag:$0x1] =	stream.indirect.gather [hbm4b:s3+s13], $0x40, s4, s13, $0xb8;
	[tilespmem:$0x1A400] =	vst v63  }
0x56: {  	s5 =	simm.s32 $0xB00  }
0x57: {  	[tilespmem:s17], [sflag:$0x1] =	stream.indirect.gather [hbm4b:s3+s13], $0x40, s5, s13, $0xb8;
	[tilespmem:$0x1A400] =	vst v63  }
0x58: {  	s22 =	simm.s32 $0xB80  }
0x59: {  	[tilespmem:s19], [sflag:$0x1] =	stream.indirect.gather [hbm4b:s3+s13], $0x40, s22, s13, $0xb8;
	[tilespmem:$0x1A400] =	vst v63  }
0x5a: {  	s26 =	simm.s32 $0xC00  }
0x5b: {  	[tilespmem:s21], [sflag:$0x1] =	stream.indirect.gather [hbm4b:s3+s13], $0x40, s26, s13, $0xb8;
	[tilespmem:$0x1A400] =	vst v63  }
0x5c: {  	_ =	swait.ge [sflag:s31], $0xA000  }
0x5d: {  	s29 =	sadd.s32 $0x5000, s10;
	s11 =	smov.u32 s2;
	[sflag:s31] =	ssyncset.done $0x0  }
0x5e: {  	s22 =	sadd.s32 $0x5000, s2;
	s26 =	simm.s32 $0x1400;
	[sflag:s31] =	ssyncadd.s32 $0xFFFF6000  }
.LBB2_2:
0x5f: {  	[hbm4b:s11+s16] =	stream.strided.scatter [tilespmem:s23], [sflag:$0x4], $0xA000, s13, s16, $0x38;
	[tilespmem:$0x1A400] =	vst v63  }
0x60: {  	s4 =	smov.u32 s26;
	s11 =	smov.u32 s22  }
0x61: {  	p0 =	sne.s32 s26, $0x15400;
	s26 =	sadd.s32 $0x1400, s26;
	_ =	swait.ge [sflag:s20], $0xA000  }
0x62: {  	s4 =	sshra.s32 s4, $0x2;
	[sflag:s20] =	ssyncset.done $0x0  }
0x63: {  	s5 =	sadd.s32 $0x780, s4;
	[sflag:s20] =	ssyncadd.s32 $0xFFFF6000  }
0x64: {  	[tilespmem:s23], [sflag:$0x2] =	stream.indirect.gather [hbm4b:s3+s13], $0x40, s5, s13, $0xb8;
	[tilespmem:$0x1A400] =	vst v63  }
0x65: {  	s5 =	sadd.s32 $0x800, s4  }
0x66: {  	[tilespmem:s25], [sflag:$0x2] =	stream.indirect.gather [hbm4b:s3+s13], $0x40, s5, s13, $0xb8;
	[tilespmem:$0x1A400] =	vst v63  }
0x67: {  	s5 =	sadd.s32 $0x880, s4  }
0x68: {  	[tilespmem:s28], [sflag:$0x2] =	stream.indirect.gather [hbm4b:s3+s13], $0x40, s5, s13, $0xb8;
	[tilespmem:$0x1A400] =	vst v63  }
0x69: {  	s5 =	sadd.s32 $0x900, s4  }
0x6a: {  	[tilespmem:s30], [sflag:$0x2] =	stream.indirect.gather [hbm4b:s3+s13], $0x40, s5, s13, $0xb8;
	[tilespmem:$0x1A400] =	vst v63  }
0x6b: {  	s5 =	sadd.s32 $0x980, s4  }
0x6c: {  	[tilespmem:s1], [sflag:$0x2] =	stream.indirect.gather [hbm4b:s3+s13], $0x40, s5, s13, $0xb8;
	[tilespmem:$0x1A400] =	vst v63  }
0x6d: {  	_ =	swait.ge [sflag:s0], $0xA000  }
0x6e: {  	[sflag:s0] =	ssyncset.done $0x0  }
0x6f: {  	[sflag:s0] =	ssyncadd.s32 $0xFFFF6000  }
0x70: {  	[hbm4b:s29+s16] =	stream.strided.scatter [tilespmem:s14], [sflag:$0x3], $0xA000, s13, s16, $0x38;
	[tilespmem:$0x1A400] =	vst v63  }
0x71: {  	_ =	swait.ge [sflag:s18], $0xA000  }
0x72: {  	[sflag:s18] =	ssyncset.done $0x0  }
0x73: {  	s5 =	sadd.s32 $0xA00, s4;
	[sflag:s18] =	ssyncadd.s32 $0xFFFF6000  }
0x74: {  	[tilespmem:s14], [sflag:$0x1] =	stream.indirect.gather [hbm4b:s3+s13], $0x40, s5, s13, $0xb8;
	[tilespmem:$0x1A400] =	vst v63  }
0x75: {  	s5 =	sadd.s32 $0xA80, s4  }
0x76: {  	[tilespmem:s15], [sflag:$0x1] =	stream.indirect.gather [hbm4b:s3+s13], $0x40, s5, s13, $0xb8;
	[tilespmem:$0x1A400] =	vst v63  }
0x77: {  	s5 =	sadd.s32 $0xB00, s4  }
0x78: {  	[tilespmem:s17], [sflag:$0x1] =	stream.indirect.gather [hbm4b:s3+s13], $0x40, s5, s13, $0xb8;
	[tilespmem:$0x1A400] =	vst v63  }
0x79: {  	s5 =	sadd.s32 $0xB80, s4  }
0x7a: {  	[tilespmem:s19], [sflag:$0x1] =	stream.indirect.gather [hbm4b:s3+s13], $0x40, s5, s13, $0xb8;
	[tilespmem:$0x1A400] =	vst v63  }
.Ltmp0:
0x7b: {  	s4 =	sadd.s32 $0xC00, s4;
	(pc) =	sbr.rel @p0 .LBB2_2-.Ltmp0, $4  }
0x7c: {  	[tilespmem:s21], [sflag:$0x1] =	stream.indirect.gather [hbm4b:s3+s13], $0x40, s4, s13, $0xb8;
	[tilespmem:$0x1A400] =	vst v63  }
0x7d: {  	_ =	swait.ge [sflag:s31], $0xA000  }
0x7e: {  	[sflag:s31] =	ssyncset.done $0x0  }
0x7f: {  	s22 =	sadd.s32 $0x5000, s22;
	s29 =	sadd.s32 $0x5000, s29;
	[sflag:s31] =	ssyncadd.s32 $0xFFFF6000  }
0x80: {  	[hbm4b:s11+s16] =	stream.strided.scatter [tilespmem:s23], [sflag:$0x4], $0xA000, s13, s16, $0x38;
	[tilespmem:$0x1A400] =	vst v63  }
0x81: {  	_ =	swait.ge [sflag:s20], $0xA000  }
0x82: {  	[sflag:s20] =	ssyncset.done $0x0  }
0x83: {  	s4 =	simm.s32 $0x6180;
	[sflag:s20] =	ssyncadd.s32 $0xFFFF6000  }
0x84: {  	[tilespmem:s23], [sflag:$0x2] =	stream.indirect.gather [hbm4b:s3+s13], $0x40, s4, s13, $0xb8;
	[tilespmem:$0x1A400] =	vst v63  }
0x85: {  	s5 =	simm.s32 $0x6200  }
0x86: {  	[tilespmem:s25], [sflag:$0x2] =	stream.indirect.gather [hbm4b:s3+s13], $0x40, s5, s13, $0xb8;
	[tilespmem:$0x1A400] =	vst v63  }
0x87: {  	s11 =	simm.s32 $0x6280  }
0x88: {  	[tilespmem:s28], [sflag:$0x2] =	stream.indirect.gather [hbm4b:s3+s13], $0x40, s11, s13, $0xb8;
	[tilespmem:$0x1A400] =	vst v63  }
0x89: {  	s22 =	simm.s32 $0x6300  }
0x8a: {  	[tilespmem:s30], [sflag:$0x2] =	stream.indirect.gather [hbm4b:s3+s13], $0x40, s22, s13, $0xb8;
	[tilespmem:$0x1A400] =	vst v63  }
0x8b: {  	s26 =	simm.s32 $0x6380  }
0x8c: {  	[tilespmem:s1], [sflag:$0x2] =	stream.indirect.gather [hbm4b:s3+s13], $0x40, s26, s13, $0xb8;
	[tilespmem:$0x1A400] =	vst v63  }
0x8d: {  	_ =	swait.ge [sflag:s0], $0xA000  }
0x8e: {  	[sflag:s0] =	ssyncset.done $0x0  }
0x8f: {  	[sflag:s0] =	ssyncadd.s32 $0xFFFF6000  }
0x90: {  	[hbm4b:s8+s16] =	stream.strided.scatter [tilespmem:s14], [sflag:$0x3], $0xA000, s13, s16, $0x38;
	[tilespmem:$0x1A400] =	vst v63  }
0x91: {  	_ =	swait.ge [sflag:s31], $0xA000  }
0x92: {  	[sflag:s31] =	ssyncset.done $0x0  }
0x93: {  	[sflag:s31] =	ssyncadd.s32 $0xFFFF6000  }
0x94: {  	[hbm4b:s9+s16] =	stream.strided.scatter [tilespmem:s23], [sflag:$0x4], $0xA000, s13, s16, $0x38;
	[tilespmem:$0x1A400] =	vst v63  }
0x95: {  	_ =	swait.ge [sflag:s18], $0xA000  }
0x96: {  	[sflag:s18] =	ssyncset.done $0x0  }
0x97: {  	[sflag:s18] =	ssyncadd.s32 $0xFFFF6000  }
0x98: {  	_ =	swait.ge [sflag:s20], $0xA000  }
0x99: {  	s24 =	sadd.s32 $0x1, s24;
	s29 =	rddreg [dreg:$0x4]  }
0x9a: {  	p0 =	sne.s32 s24, s29  }
.Ltmp1:
0x9b: {  	_ = 	snop;
	(pc) =	sbr.rel @p0 .LBB2_1-.Ltmp1, $3  }
0x9c: {  	_ =	sdelay $0x1  }
0x9d: {  	[sflag:s20] =	ssyncset.done $0x0  }
0x9e: {  	[sflag:s20] =	ssyncadd.s32 $0xFFFF6000  }
0x9f: {  	_ =	sfence.sel $0x180000  }
0xa0: {  	[bflag:$0x0] =	sbarrier.arrive $0xFFFF  }
0xa1: {  	_ =	strace $0x90000047  }
0xa2: {  	s0 =	stileid.u32;
	[bflag:$0x2] =	sbarrier.arrive $0xFFFF  }
0xa3: {  	p0 =	sne.s32 s0, $0x0;
	s0 =	rddreg [dreg:$0x2]  }
0xa4: {  	s0 =	sadd.s32 @!p0 $0x100000, s0  }
0xa5: {  	[sflag:s0] =	ssyncadd.tile.s32 @!p0 $0x1;
	_ =	shalt  }
.Lfunc_end2:
_tile_overlayer_lowered:
.L_overlay_start_2:
0xa6: {  	(tag) =	ssettag $0x2  }
0xa7: {  	s0 =	rddreg [dreg:$0x0];
	s2 =	stileid.u32  }
0xa8: {  	s1 =	rddreg [dreg:$0x1];
	p0 =	sne.s32 s2, $0x0  }
0xa9: {  	s3 =	rddreg [dreg:$0x2];
	[bflag:$0x3] =	sbarrier.arrive $0xFFFF;
	s2 =	simm.s32 @!p0 $0x1C05  }
0xaa: {  	[timem:s3], [sflag:s2] =	dma.local @!p0 [hbm:s0], s1  }
0xab: {  	s0 =	simm.s32 @!p0 $0x5  }
0xac: {  	_ =	swait.ge @!p0 [sflag:s0], s1  }
0xad: {  	s1 =	ssub.s32 @!p0 $0x0, s1;
	[sflag:s0] =	ssyncset.done @!p0 $0x0  }
0xae: {  	[sflag:s0] =	ssyncadd.s32 @!p0 s1  }
0xaf: {  	[bflag:$0x3] =	sbarrier.arrive $0xFFFF  }
0xb0: {  	_ =	shalt  }

// kernel: sparse-core-data-format-call.cloned.1.call-start
scs
called_computation_lowered:
.L_overlay_start_0:
0x0: {  	s2 =	sld [smem:$0x3FD9]  }
0x1: {  	s3 =	sld [smem:$0x3FFE];
	_ =	sdelay $0x1  }
0x2: {  	s1 =	srdreg.scid  }
0x3: {  	s0 =	sand.u32 $0x1, s1  }
0x4: {  	s15 =	sshll.u32 s0, $0xA;
	s2 =	sadd.s32 s3, s2  }
0x5: {  	s2 =	sadd.s32 s2, s15  }
0x6: {  	[smem:$0x3FC6] =	sst s2  }
0x7: {  	_ = 	snop  }
0x8: {  	s2 =	sld [smem:$0x3FD0];
	_ =	sdelay $0x2  }
0x9: {  	s16 =	simm.s32 $0xA;
	s4 =	simm.s32 $0x10  }
0xa: {  	[smem:s4], [sflag:s16] =	dma.local [hbm:s2], $0x1  }
0xb: {  	_ =	swait.eq [sflag:s16], $0x1  }
0xc: {  	[sflag:s16] =	ssyncset.done $0x0  }
0xd: {  	[sflag:s16] =	ssyncadd.s32 $0xFFFFFFFF  }
0xe: {  	s17 =	sld [smem:$0x10];
	(tm) =	ssettm $0x1  }
0xf: {  	s18 =	sld [smem:$0x3FFB];
	_ =	sdelay $0x3  }
0x10: {  	_ =	strace s18  }
0x11: {  	s3 =	sld [smem:$0x3FFC];
	_ =	sdelay $0x3  }
0x12: {  	_ =	strace s3  }
0x13: {  	s3 =	sld [smem:$0x3FFD];
	_ =	sdelay $0x3  }
0x14: {  	_ =	strace s3  }
0x15: {  	_ =	strace $0x8FFFFFFF  }
0x16: {  	s19 =	sld [smem:$0x3FDB];
	_ =	sdelay $0x1  }
0x17: {  	s20 =	simm.s32 $_scs_section_size  }
0x18: {  	s5 =	simm.s32 $_size__tile_overlayer_lowered;
	s6 =	simm.s32 $_tile_overlayer_lowered  }
0x19: {  	s23 =	simm.s32 $0x1BFF;
	s22 =	sshll.u32 s6, $0x1;
	s3 =	sadd.s32 s20, s19  }
0x1a: {  	s7 =	simm.s32 $0x0;
	s21 =	sshll.u32 s5, $0x1;
	s5 =	sadd.s32 s22, s3  }
0x1b: {  	[timem:s7], [sflag:s23] =	dma.local [hbm:s5], s21  }
0x1c: {  	_ =	swait.ge [sflag:s23], s21  }
0x1d: {  	s4 =	ssub.s32 $0x0, s21;
	[sflag:s23] =	ssyncset.done $0x0  }
0x1e: {  	[sflag:s23] =	ssyncadd.s32 s4;
	_ =	sdelay $0x1  }
0x1f: {  	s24 =	simm.s32 $0x1B8B  }
0x20: {  	_ =	swait.ge [sflag:s24], $0x1  }
0x21: {  	[sflag:s24] =	ssyncset.done $0x0  }
0x22: {  	s26 =	simm.s32 $0x1B8E;
	s25 =	sld [smem:$0x3FFE];
	[sflag:s24] =	ssyncadd.s32 $0xFFFFFFFF  }
0x23: {  	s27 =	simm.s32 $execute0_lowered;
	[smem:$0x3FD2] =	sst s26  }
0x24: {  	s5 =	sshll.u32 s27, $0x1;
	_ =	strace $0x80000049;
	[dreg:$0x1] =	wrdreg $0xFFFFFFFF  }
0x25: {  	s28 =	simm.s32 $_size_execute0_lowered;
	s3 =	sadd.s32 s3, s5;
	[dreg:$0x0] =	wrdreg $0x0  }
0x26: {  	s5 =	sshll.u32 s28, $0x1;
	[dreg:$0x2] =	wrdreg s3  }
0x27: {  	[dreg:$0x3] =	wrdreg s5  }
0x28: {  	[dreg:$0x4] =	wrdreg $0xC0  }
0x29: {  	_ =	task [dreg:s7], $0x5FFFF  }
0x2a: {  	[dreg:$0x1] =	wrdreg $0xFFFFFFFF  }
0x2b: {  	[dreg:$0x0] =	wrdreg $0x60  }
0x2c: {  	[dreg:$0x2] =	wrdreg s25  }
0x2d: {  	[dreg:$0x3] =	wrdreg s17  }
0x2e: {  	[dreg:$0x4] =	wrdreg $0x9  }
0x2f: {  	_ =	task.clear_ibuf [dreg:s7], $0x5FFFF;
	_ =	strace $0x90000049  }
0x30: {  	s29 =	simm.s32 $0x9;
	_ =	strace $0x8000004B  }
0x31: {  	_ =	swait.ge [sflag:s29], $0x1  }
0x32: {  	[sflag:s29] =	ssyncadd.s32 $0xFFFFFFFF  }
0x33: {  	_ =	strace $0x9000004B  }
0x34: {  	_ =	sfence  }
0x35: {  	s30 =	sld [smem:$0x0];
	_ =	sdelay $0x2  }
0x36: {  	s31 =	sshll.u32 s1, $0xD;
	s1 =	sshrl.u32 s1, $0x2  }
0x37: {  	s3 =	sand.u32 $0x4000, s31;
	s1 =	sadd.s32 s1, s30  }
0x38: {  	s0 =	sor.u32 s3, s0;
	s1 =	sshll.u32 s1, $0x11  }
0x39: {  	s0 =	sor.u32 s1, s0  }
0x3a: {  	s0 =	sadd.s32 $0x8F2B, s0  }
0x3b: {  	[sflag:s0] =	ssyncadd.remote.s32 $0x1  }
0x3c: {  	_ =	sfence.sel $0xFFFF  }
0x3d: {  	[dreg:$0x0] =	wrdreg $0xFFFFFFFF;
	(pc) =	sbr.abs _section_cstart, $3  }
0x3e: {  	[dreg:$0x1] =	wrdreg $0xFFFFFFFF  }
0x3f: {  	_ =	task.clear_ibuf [dreg:s7], $0x2FFFF;
	_ =	strace $0x9FFFFFFF  }
0x40: {  	(tm) =	ssettm $0x7FFFFFFF  }
0x41: {  	_ =	shalt  }
tec
execute0_lowered:
.L_overlay_start_1:
0x0: {  	(tag) =	ssettag $0x1  }
0x1: {  	s0 =	srdreg.scid  }
0x2: {  	s1 =	sshll.u32 s0, $0x4  }
0x3: {  	s0 =	stileid.u32;
	s1 =	sand.u32 $0x10, s1  }
0x4: {  	s1 =	sor.u32 s0, s1  }
0x5: {  	s6 =	rddreg [dreg:$0x0];
	s4 =	simm.s32 $0x1;
	s2 =	sshll.u32 s1, $0x7  }
0x6: {  	s7 =	simm.s32 $0x2;
	s12 =	simm.s32 $0x0;
	s1 =	ssub.s32 $0x1000, s2  }
0x7: {  	s8 =	simm.s32 $0x8000;
	s13 =	simm.s32 $0x0;
	s3 =	sand.u32 $0xF80, s1  }
0x8: {  	s9 =	simm.s32 $0x0;
	s5 =	sshrl.u32 s1, $0xC;
	p0 =	sne.s32 s3, $0x0  }
.Ltmp0:
0x9: {  	s1 =	rddreg [dreg:$0x2];
	s4 =	simm.s32 @!p0 $0x0;
	(pc) =	sbr.rel .LBB1_1-.Ltmp0, $4  }
0xa: {  	s11 =	simm.s32 $0x0;
	s3 =	rddreg [dreg:$0x1];
	s5 =	sadd.s32 s4, s5  }
0xb: {  	_ =	strace $0x8000004A;
	s4 =	simm.s32 $0x1;
	s5 =	smul.u32 $0xC8, s5  }
0xc: {  	s6 =	sadd.s32 $0x20E00, s6;
	s10 =	smov.u32 s2;
	[sflag:s4] =	ssyncpa.u1 $0x0  }
0xd: {  	p0 =	por $0x0, $0x0;
	[sflag:s7] =	ssyncpa.u1 $0x0;
	s7 =	sor.u32 $0x1, s5  }
.LBB1_4:
0xe: {  	s16 =	sshll.u32 s13, $0x3;
	s17 =	sand.u32 $0x78, s13  }
0xf: {  	s30 =	sand.u32 $0x7E00, s13;
	s12 =	sshll.u32 s12, $0xF;
	s16 =	sand.u32 $0xC00, s16  }
0x10: {  	[tilespmem:s15+$0x810 ss:$0x81] =	vst.msk $0xffff, v2;
	s31 =	sand.u32 $0x7, s13;
	s16 =	sor.u32 s17, s16;
	s17 =	sadd.s32 s3, s30  }
0x11: {  	[tilespmem:s15+$0x1020 ss:$0x81] =	vst.msk $0xffff, v0;
	s13 =	sshll.u32 s31, $0x12;
	s12 =	sadd.s32 s12, s17;
	s16 =	sshrl.u32 s16, $0x3  }
0x12: {  	[tilespmem:s15+$0x0 ss:$0x81] =	vst.msk $0xffff, v1;
	s13 =	sor.u32 $0x400, s13;
	s12 =	sadd.s32 s16, s12  }
0x13: {  	[hbm4b:s12+s13] =	stream.strided.scatter [tilespmem:s14], [sflag:$0x2], $0x2000, s8, s13, $0x20;
	[tilespmem:$0x8080] =	vst v63  }
.LBB1_5:
0x14: {  	s14 =	sadd.s32 $0x1, s9  }
0x15: {  	s12 =	sadd.s32 $0x1000, s10;
	s16 =	smov.u32 s10;
	p2 =	sgt.s32 s14, $0xC7  }
0x16: {  	s16 =	smov.u32 @p2 s12  }
0x17: {  	s14 =	simm.s32 @p2 $0x0;
	p2 =	sgt.s32 s16, $0xFFF  }
0x18: {  	s16 =	smov.u32 @p2 s2;
	p2 =	sne.s32 s11, s7  }
.Ltmp1:
0x19: {  	p1 =	slt.u32 s11, $0x2;
	(pc) =	sbr.rel @!p2 .LBB1_6-.Ltmp1, $4  }
0x1a: {  	s15 =	simm.s32 @!p1 $0x2  }
0x1b: {  	s13 =	smov.u32 s10;
	p0 =	por !p0, !p0;
	_ =	swait.ge @!p1 [sflag:s15], $0x2000  }
0x1c: {  	s12 =	smov.u32 s9;
	[sflag:s15] =	ssyncset.done @!p1 $0x0;
	s9 =	smov.u32 s14  }
0x1d: {  	s11 =	sadd.s32 $0x1, s11;
	[sflag:s15] =	ssyncadd.s32 @!p1 $0xFFFFE000;
	s10 =	smov.u32 s16  }
.LBB1_1:
0x1e: {  	p1 =	sge.u32 s11, s5  }
0x1f: {  	s14 =	sand.u32 @!p1 $0x1FFFFFF, s9  }
0x20: {  	s15 =	smulhi.u32 @!p1 $0x147AE15, s14;
	_ =	sdelay $0x1  }
0x21: {  	s15 =	smul.u32 @!p1 $0xC8, s15  }
0x22: {  	s16 =	sxor.u32 @!p1 $0xFFFFFFFF, s11;
	s17 =	smul.u32 @!p1 $0xC80, s10  }
0x23: {  	s31 =	sadd.s32 $0xFFFFFFFF, s11;
	s16 =	sshll.u32 @!p1 s16, $0xD;
	s14 =	ssub.s32 @!p1 s14, s15  }
0x24: {  	s15 =	sand.u32 @!p1 $0x2000, s16;
	s16 =	sadd.s32 @!p1 s6, s17;
	s14 =	sshll.u32 @!p1 s14, $0x4  }
0x25: {  	s17 =	simm.s32 @!p1 $0x6400;
	s14 =	sadd.s32 @!p1 s14, s16;
	s16 =	simm.s32 @!p1 $0x40  }
0x26: {  	[tilespmem:s15], [sflag:$0x1] =	stream.strided.gather @!p1 [hbm4b:s14+s16], $0x2000, s17, s16, $0x38;
	[tilespmem:$0x8080] =	vst v63  }
0x27: {  	p1 =	sge.u32 s31, s5  }
.Ltmp2:
0x28: {  	_ = 	snop;
	(pc) =	sbr.rel @p1 .LBB1_5-.Ltmp2, $1  }
0x29: {  	_ =	sdelay $0x3  }
0x2a: {  	s14 =	simm.s32 $0x1  }
0x2b: {  	_ =	swait.ge [sflag:s4], $0x2000;
	s14 =	simm.s32 @!p0 $0x0  }
0x2c: {  	[sflag:s4] =	ssyncset.done $0x0;
	s15 =	sshll.u32 s14, $0xD  }
0x2d: {  	[sflag:s4] =	ssyncadd.s32 $0xFFFFE000;
	s18 =	sor.u32 $0x20, s15  }
0x2e: {  	s14 =	smul.u32 $0x8100, s14;
	v3 =	vld [tilespmem:s18+$0x10]  }
0x2f: {  	s30 =	sand.u32 $0x1, s11;
	v2 =	vld [tilespmem:s18+$0xFFFFFFF0]  }
0x30: {  	s15 =	smul.u32 $0x8100, s30;
	s14 =	sshrl.u32 s14, $0x2;
	v0 =	vld [tilespmem:s18+$0x0]  }
0x31: {  	v1 =	vld [tilespmem:s18+$0xFFFFFFE0];
	s16 =	sor.u32 $0x4000, s14  }
0x32: {  	s31 =	sshrl.u32 s15, $0x2;
	s15 =	sadd.s32 $0x0, s16  }
0x33: {  	s17 =	simm.s32 $0x4;
	s18 =	sadd.s32 $0x40, s18;
	s14 =	sor.u32 $0x4000, s31;
	[tilespmem:s15+$0x1830 ss:$0x81] =	vst.msk $0xffff, v3  }
.LBB1_3:
0x34: {  	v3 =	vld [tilespmem:s18+$0x10];
	p1 =	sne.s32 s17, $0x1FC;
	[tilespmem:s15+$0x810 ss:$0x81] =	vst.msk $0xffff, v2;
	s19 =	smov.u32 s17;
	s17 =	sadd.s32 $0x4, s17  }
.Ltmp3:
0x35: {  	v2 =	vld [tilespmem:s18+$0xFFFFFFF0];
	[tilespmem:s15+$0x1020 ss:$0x81] =	vst.msk $0xffff, v0;
	(pc) =	sbr.rel @p1 .LBB1_3-.Ltmp3, $4  }
0x36: {  	v0 =	vld [tilespmem:s18+$0x0];
	[tilespmem:s15+$0x0 ss:$0x81] =	vst.msk $0xffff, v1  }
0x37: {  	s15 =	sshra.s32 s19, $0x2;
	v1 =	vld [tilespmem:s18+$0xFFFFFFE0]  }
0x38: {  	s15 =	sadd.s32 s15, s16  }
0x39: {  	s18 =	sadd.s32 $0x40, s18;
	[tilespmem:s15+$0x1830 ss:$0x81] =	vst.msk $0xffff, v3  }
.Ltmp4:
0x3a: {  	_ = 	snop;
	(pc) =	sbr.rel .LBB1_4-.Ltmp4, $1  }
0x3b: {  	_ =	sdelay $0x3  }
.LBB1_6:
0x3c: {  	_ =	sfence.sel $0x180000  }
0x3d: {  	s2 =	simm.s32 $0x1;
	[bflag:$0x0] =	sbarrier.arrive $0xFFFF  }
0x3e: {  	s31 =	simm.s32 $0x2;
	[sflag:s2] =	ssyncpa.u1 $0x1  }
0x3f: {  	[sflag:s31] =	ssyncpa.u1 $0x1  }
0x40: {  	p0 =	sne.s32 s0, $0x0;
	_ =	strace $0x9000004A  }
0x41: {  	s0 =	sadd.s32 @!p0 $0x100000, s1;
	[bflag:$0x2] =	sbarrier.arrive $0xFFFF  }
0x42: {  	[sflag:s0] =	ssyncadd.tile.s32 @!p0 $0x1;
	_ =	shalt  }
.Lfunc_end1:
_tile_overlayer_lowered:
.L_overlay_start_2:
0x43: {  	(tag) =	ssettag $0x2  }
0x44: {  	s0 =	rddreg [dreg:$0x0];
	s2 =	stileid.u32  }
0x45: {  	s1 =	rddreg [dreg:$0x1];
	p0 =	sne.s32 s2, $0x0  }
0x46: {  	s3 =	rddreg [dreg:$0x2];
	[bflag:$0x3] =	sbarrier.arrive $0xFFFF;
	s2 =	simm.s32 @!p0 $0x1C01  }
0x47: {  	[timem:s3], [sflag:s2] =	dma.local @!p0 [hbm:s0], s1  }
0x48: {  	s0 =	simm.s32 @!p0 $0x1  }
0x49: {  	_ =	swait.ge @!p0 [sflag:s0], s1  }
0x4a: {  	s1 =	ssub.s32 @!p0 $0x0, s1;
	[sflag:s0] =	ssyncset.done @!p0 $0x0  }
0x4b: {  	[sflag:s0] =	ssyncadd.s32 @!p0 s1  }
0x4c: {  	[bflag:$0x3] =	sbarrier.arrive $0xFFFF  }
0x4d: {  	_ =	shalt  }

</sc_bundles>
